<compile_context>
chip_gen: v7x
topology: tpu7x:2x2x1
jax: 0.10.2.dev20260603
libtpu: 0.0.44.dev20260713+nightly
codegen_flags: <defaults>
</compile_context>

<pallas_src>
import functools

import jax
import jax.numpy as jnp
from jax import lax
from jax.experimental import pallas as pl
from jax.experimental.pallas import tpu as pltpu
from jax.experimental.pallas import tpu_sc as plsc

_DIM = 64
_PAD = 128
_NC = 2
_NS = 16
_NW = _NC * _NS
_U = 128
_TSTRIDE = 129


def _make_gather(n_l: int, n_b: int):
    n_units = n_l * (n_b // _U)
    upw = n_units // _NW
    n_idx = upw * _U
    assert n_units % _NW == 0 and upw % 2 == 0
    mesh = plsc.VectorSubcoreMesh(core_axis_name="c", subcore_axis_name="s")

    scratch = (
        [pltpu.VMEM((n_idx,), jnp.int32)]
        + [pltpu.VMEM((_U, _PAD), jnp.float32) for _ in range(2)]
        + [pltpu.VMEM((_DIM, _TSTRIDE), jnp.float32) for _ in range(2)]
        + [pltpu.SemaphoreType.DMA for _ in range(4)]
    )

    @functools.partial(
        pl.kernel,
        mesh=mesh,
        out_type=jax.ShapeDtypeStruct((n_l, _DIM, n_b), jnp.float32),
        scratch_types=scratch,
        compiler_params=pltpu.CompilerParams(
            use_tc_tiling_on_sc=True, needs_layout_passes=False),
    )
    def gather_kernel(table_hbm, idx_hbm, out_hbm, idx_all,
                      g0, g1, t0, t1, gs0, gs1, ss0, ss1):
        g = (g0, g1)
        t = (t0, t1)
        gsem = (gs0, gs1)
        ssem = (ss0, ss1)
        wid = lax.axis_index("s") * _NC + lax.axis_index("c")
        ubase = wid * upw

        pltpu.sync_copy(idx_hbm.at[pl.ds(wid * n_idx, n_idx)], idx_all)

        lanes = lax.iota(jnp.int32, 16)
        rowidx = [lanes + (j16 * 16) for j16 in range(4)]

        def start_gather(k, s):
            pltpu.async_copy(
                table_hbm.at[idx_all.at[pl.ds(k * _U, _U)]], g[s], gsem[s])

        def wait_gather(k, s):
            pltpu.make_async_copy(
                table_hbm.at[idx_all.at[pl.ds(k * _U, _U)]], g[s],
                gsem[s]).wait()

        def out_slice(k):
            u = ubase + k
            l = jax.lax.shift_right_logical(u, 7)
            bb = jax.lax.bitwise_and(u, 127)
            return out_hbm.at[l, :, pl.ds(bb * _U, _U)]

        def start_store(k, s):
            pltpu.async_copy(t[s].at[:, pl.ds(0, _U)], out_slice(k), ssem[s])

        def wait_store(k, s):
            pltpu.make_async_copy(
                t[s].at[:, pl.ds(0, _U)], out_slice(k), ssem[s]).wait()

        def transpose(s):
            @plsc.parallel_loop(0, _U, step=1, unroll=16)
            def _(tok):
                cols = jnp.full((16,), tok, jnp.int32)
                for j16 in range(4):
                    v = g[s][tok, pl.ds(j16 * 16, 16)]
                    plsc.store_scatter(t[s], [rowidx[j16], cols], v)

        for s in range(2):
            start_gather(s, s)

        def group_body(kk, carry):
            for s in range(2):
                k = kk * 2 + s
                wait_gather(k, s)

                @pl.when(k >= 2)
                def _():
                    wait_store(k - 2, s)

                transpose(s)
                start_store(k, s)

                @pl.when(k + 2 < upw)
                def _():
                    start_gather(k + 2, s)
            return carry

        lax.fori_loop(0, upw // 2, group_body, 0)

        for s in range(2):
            wait_store(upw - 2 + s, s)

    return gather_kernel


def kernel(input_ids, table):
    b, l = input_ids.shape
    n_tot = b * l
    ids_f = input_ids.T.reshape(n_tot)
    table_p = jnp.pad(table, ((0, 0), (0, _PAD - _DIM)))
    out_t = _make_gather(l, b)(table_p, ids_f)
    return out_t.transpose(2, 0, 1)

# --- scband reference (transcript-rebuilt; emitter-appended) ---
"""Pipeline reference for scband-token-embedding-74646531604979 (READ-ONLY COPY).

The authoritative reference and input builder live on the scoring server;
editing this copy changes nothing except your own understanding.
"""

import jax, jax.numpy as jnp
import numpy as np

VOCAB = 1000000
DIM = 64
B = 16384
L = 50
PAD_IDX = 0
INIT_RANGE = 0.02


def setup_inputs(seed: int = 0) -> dict:
    key = jax.random.key(seed)
    k1, k2 = jax.random.split(key)
    input_ids = jax.random.randint(k1, (B, L), 0, VOCAB, dtype=jnp.int64 if jax.config.jax_enable_x64 else jnp.int32).astype(jnp.int32)
    table = jax.random.normal(k2, (VOCAB, DIM), dtype=jnp.float32) * INIT_RANGE
    # nn.Embedding with padding_idx zeros the padding row at init
    table = table.at[PAD_IDX].set(0.0)
    return {"input_ids": input_ids, "table": table}


def reference(input_ids, table):
    # Faithful to nn.Embedding forward: pure row gather from the table
    return jnp.take(table, input_ids, axis=0)

if __name__ == "__main__":
    import jax
    _d = setup_inputs()
    print(jax.jit(kernel)(*tuple(_d.values())))

</pallas_src>

<mosaic_0001>
#map = affine_map<(d0, d1) -> (0, 0)>
#map1 = affine_map<(d0, d1) -> (0)>
#map2 = affine_map<(d0, d1) -> (0, 0, 0)>
module attributes {stable_mosaic.version = 14 : i64} {
  func.func @gather_kernel(%arg0: i32, %arg1: i32, %arg2: memref<1000000x128xf32, #tpu.memory_space<hbm>>, %arg3: memref<819200xi32, #tpu.memory_space<hbm>>, %arg4: memref<50x64x16384xf32, #tpu.memory_space<hbm>>, %arg5: memref<25600xi32, #tpu.memory_space<vmem>>, %arg6: memref<128x128xf32, #tpu.memory_space<vmem>>, %arg7: memref<128x128xf32, #tpu.memory_space<vmem>>, %arg8: memref<64x129xf32, #tpu.memory_space<vmem>>, %arg9: memref<64x129xf32, #tpu.memory_space<vmem>>, %arg10: memref<!tpu.dma_semaphore, #tpu.memory_space<semaphore_mem>>, %arg11: memref<!tpu.dma_semaphore, #tpu.memory_space<semaphore_mem>>, %arg12: memref<!tpu.dma_semaphore, #tpu.memory_space<semaphore_mem>>, %arg13: memref<!tpu.dma_semaphore, #tpu.memory_space<semaphore_mem>>) attributes {dimension_semantics = [#tpu.dimension_semantics<core_parallel>, #tpu.dimension_semantics<subcore_parallel>], iteration_bounds = array<i64: 2, 16>, scalar_prefetch = 0 : i64, scratch_operands = 9 : i64, tpu.core_type = #tpu.core_type<sc_vector_subcore>, window_params = [{transform_indices = #map}, {transform_indices = #map1}, {transform_indices = #map2}]} {
    %mul3A = arith.constant 2 : i32
    %mul3A_0 = arith.muli %arg1, %mul3A : i32
    %add3A = arith.addi %mul3A_0, %arg0 : i32
    %mul3A_1 = arith.constant 200 : i32
    %mul3A_2 = arith.muli %add3A, %mul3A_1 : i32
    %mul3A_3 = arith.constant 25600 : i32
    %mul3A_4 = arith.muli %add3A, %mul3A_3 : i32
    "tpu.region"() ({
      %run_scoped3A = tpu.sem_alloc : memref<!tpu.dma_semaphore, #tpu.memory_space<semaphore_mem>>
      %dma_start3A_68 = tpu.memref_slice %arg3[%mul3A_4] : memref<819200xi32, #tpu.memory_space<hbm>> -> memref<25600xi32, #tpu.memory_space<hbm>>
      %dma_start3A_69 = tpu.memref_slice %arg3[%mul3A_4] : memref<819200xi32, #tpu.memory_space<hbm>> -> memref<25600xi32, #tpu.memory_space<hbm>>
      tpu.enqueue_dma source(%dma_start3A_69 : memref<25600xi32, #tpu.memory_space<hbm>>) target(%arg5 : memref<25600xi32, #tpu.memory_space<vmem>>) target_semaphore(%run_scoped3A : memref<!tpu.dma_semaphore, #tpu.memory_space<semaphore_mem>>)
      %dma_wait3A_70 = tpu.memref_slice %arg3[%mul3A_4] : memref<819200xi32, #tpu.memory_space<hbm>> -> memref<25600xi32, #tpu.memory_space<hbm>>
      %dma_wait3A_71 = tpu.memref_slice %arg3[%mul3A_4] : memref<819200xi32, #tpu.memory_space<hbm>> -> memref<25600xi32, #tpu.memory_space<hbm>>
      tpu.wait_dma2 semaphore(%run_scoped3A : memref<!tpu.dma_semaphore, #tpu.memory_space<semaphore_mem>>) src(%dma_wait3A_71 : memref<25600xi32, #tpu.memory_space<hbm>>) dst(%arg5 : memref<25600xi32, #tpu.memory_space<vmem>>)
      tpu.yield
    }) : () -> ()
    %iota3A = tpu.iota {dimensions = array<i32: 0>} : vector<16xi32>
    %add3A_5 = arith.constant 0 : i32
    %add3A_6 = vector.broadcast %add3A_5 : i32 to vector<16xi32>
    %add3A_7 = arith.addi %iota3A, %add3A_6 : vector<16xi32>
    %add3A_8 = arith.constant 16 : i32
    %add3A_9 = vector.broadcast %add3A_8 : i32 to vector<16xi32>
    %add3A_10 = arith.addi %iota3A, %add3A_9 : vector<16xi32>
    %add3A_11 = arith.constant 32 : i32
    %add3A_12 = vector.broadcast %add3A_11 : i32 to vector<16xi32>
    %add3A_13 = arith.addi %iota3A, %add3A_12 : vector<16xi32>
    %add3A_14 = arith.constant 48 : i32
    %add3A_15 = vector.broadcast %add3A_14 : i32 to vector<16xi32>
    %add3A_16 = arith.addi %iota3A, %add3A_15 : vector<16xi32>
    %dma_start3A = arith.constant 0 : i32
    %dma_start3A_17 = tpu.memref_slice %arg5[%dma_start3A] : memref<25600xi32, #tpu.memory_space<vmem>> -> memref<128xi32, #tpu.memory_space<vmem>>
    %dma_start3A_18 = arith.constant 0 : i32
    %dma_start3A_19 = arith.constant 0 : i32
    %dma_start3A_20 = tpu.memref_slice %arg2[%dma_start3A_18, %dma_start3A_19] : memref<1000000x128xf32, #tpu.memory_space<hbm>> -> memref<1000000x128xf32, #tpu.memory_space<hbm>>
    tpu.enqueue_indirect_dma source(%dma_start3A_20 : memref<1000000x128xf32, #tpu.memory_space<hbm>>) target(%arg6 : memref<128x128xf32, #tpu.memory_space<vmem>>) offsets(%dma_start3A_17 : memref<128xi32, #tpu.memory_space<vmem>>) semaphore(%arg10 : memref<!tpu.dma_semaphore, #tpu.memory_space<semaphore_mem>>)
    %dma_start3A_21 = arith.constant 128 : i32
    %dma_start3A_22 = tpu.memref_slice %arg5[%dma_start3A_21] : memref<25600xi32, #tpu.memory_space<vmem>> -> memref<128xi32, #tpu.memory_space<vmem>>
    %dma_start3A_23 = arith.constant 0 : i32
    %dma_start3A_24 = arith.constant 0 : i32
    %dma_start3A_25 = tpu.memref_slice %arg2[%dma_start3A_23, %dma_start3A_24] : memref<1000000x128xf32, #tpu.memory_space<hbm>> -> memref<1000000x128xf32, #tpu.memory_space<hbm>>
    tpu.enqueue_indirect_dma source(%dma_start3A_25 : memref<1000000x128xf32, #tpu.memory_space<hbm>>) target(%arg7 : memref<128x128xf32, #tpu.memory_space<vmem>>) offsets(%dma_start3A_22 : memref<128xi32, #tpu.memory_space<vmem>>) semaphore(%arg11 : memref<!tpu.dma_semaphore, #tpu.memory_space<semaphore_mem>>)
    %scan3A = arith.constant 0 : i32
    %scan3A_26 = arith.constant 0 : i32
    %scan3A_27 = arith.constant 100 : i32
    %scan3A_28 = arith.addi %scan3A_26, %scan3A_27 : i32
    %scan3A_29 = arith.constant 1 : i32
    scf.for %scan3A_68 = %scan3A_26 to %scan3A_28 step %scan3A_29  : i32 {
      %mul3A_69 = arith.constant 2 : i32
      %mul3A_70 = arith.muli %scan3A_68, %mul3A_69 : i32
      %add3A_71 = arith.constant 0 : i32
      %add3A_72 = arith.addi %mul3A_70, %add3A_71 : i32
      %mul3A_73 = arith.constant 128 : i32
      %mul3A_74 = arith.muli %add3A_72, %mul3A_73 : i32
      %dma_wait3A_75 = tpu.memref_slice %arg5[%mul3A_74] : memref<25600xi32, #tpu.memory_space<vmem>> -> memref<128xi32, #tpu.memory_space<vmem>>
      %dma_wait3A_76 = arith.constant 0 : i32
      %dma_wait3A_77 = arith.constant 0 : i32
      %dma_wait3A_78 = tpu.memref_slice %arg2[%dma_wait3A_76, %dma_wait3A_77] : memref<1000000x128xf32, #tpu.memory_space<hbm>> -> memref<1000000x128xf32, #tpu.memory_space<hbm>>
      tpu.wait_indirect_dma semaphore(%arg10 : memref<!tpu.dma_semaphore, #tpu.memory_space<semaphore_mem>>) src(%dma_wait3A_78 : memref<1000000x128xf32, #tpu.memory_space<hbm>>) dst(%arg6 : memref<128x128xf32, #tpu.memory_space<vmem>>)
      %ge3A = arith.constant 2 : i32
      %ge3A_79 = arith.cmpi sge, %add3A_72, %ge3A : i32
      %convert_element_type3A = arith.extui %ge3A_79 : i1 to i32
      %cond3A = arith.constant 0 : i32
      %cond3A_80 = arith.cmpi ne, %convert_element_type3A, %cond3A : i32
      scf.if %cond3A_80 {
        %sub3A = arith.constant 2 : i32
        %sub3A_152 = arith.subi %add3A_72, %sub3A : i32
        %add3A_153 = arith.addi %mul3A_2, %sub3A_152 : i32
        %shift_right_logical3A_154 = arith.constant 7 : i32
        %shift_right_logical3A_155 = arith.shrui %add3A_153, %shift_right_logical3A_154 : i32
        %and3A_156 = arith.constant 127 : i32
        %and3A_157 = arith.andi %add3A_153, %and3A_156 : i32
        %mul3A_158 = arith.constant 128 : i32
        %mul3A_159 = arith.muli %and3A_157, %mul3A_158 : i32
        %dma_wait3A_160 = arith.constant 0 : i32
        %dma_wait3A_161 = arith.constant 0 : i32
        %dma_wait3A_162 = tpu.memref_slice %arg8[%dma_wait3A_160, %dma_wait3A_161] : memref<64x129xf32, #tpu.memory_space<vmem>> -> memref<64x128xf32, #tpu.memory_space<vmem>>
        %dma_wait3A_163 = arith.constant 0 : i32
        %dma_wait3A_164 = tpu.memref_slice %arg4[%shift_right_logical3A_155, %dma_wait3A_163, %mul3A_159] : memref<50x64x16384xf32, #tpu.memory_space<hbm>> -> memref<1x64x128xf32, #tpu.memory_space<hbm>>
        %dma_wait3A_165 = tpu.memref_squeeze %dma_wait3A_164 : memref<1x64x128xf32, #tpu.memory_space<hbm>> -> memref<64x128xf32, #tpu.memory_space<hbm>>
        %dma_wait3A_166 = arith.constant 0 : i32
        %dma_wait3A_167 = tpu.memref_slice %arg4[%shift_right_logical3A_155, %dma_wait3A_166, %mul3A_159] : memref<50x64x16384xf32, #tpu.memory_space<hbm>> -> memref<1x64x128xf32, #tpu.memory_space<hbm>>
        %dma_wait3A_168 = tpu.memref_squeeze %dma_wait3A_167 : memref<1x64x128xf32, #tpu.memory_space<hbm>> -> memref<64x128xf32, #tpu.memory_space<hbm>>
        %dma_wait3A_169 = arith.constant 0 : i32
        %dma_wait3A_170 = arith.constant 0 : i32
        %dma_wait3A_171 = tpu.memref_slice %arg8[%dma_wait3A_169, %dma_wait3A_170] : memref<64x129xf32, #tpu.memory_space<vmem>> -> memref<64x128xf32, #tpu.memory_space<vmem>>
        tpu.wait_dma2 semaphore(%arg12 : memref<!tpu.dma_semaphore, #tpu.memory_space<semaphore_mem>>) src(%dma_wait3A_171 : memref<64x128xf32, #tpu.memory_space<vmem>>) dst(%dma_wait3A_168 : memref<64x128xf32, #tpu.memory_space<hbm>>)
      } else {
      }
      %parallel_loop3A = arith.constant 0 : i32
      %parallel_loop3A_81 = arith.constant 128 : i32
      %parallel_loop3A_82 = arith.constant 1 : i32
      scf.for %parallel_loop3A_152 = %parallel_loop3A to %parallel_loop3A_81 step %parallel_loop3A_82  : i32 {
        %parallel_loop3A_153 = vector.broadcast %parallel_loop3A_152 : i32 to vector<16xi32>
        %parallel_loop3A_154 = arith.index_cast %parallel_loop3A_152 : i32 to index
        %parallel_loop3A_155 = arith.constant 0 : index
        %parallel_loop3A_156 = tpu.vector_load %arg6[%parallel_loop3A_154, %parallel_loop3A_155] {strides = array<i32>} : memref<128x128xf32, #tpu.memory_space<vmem>>, vector<16xf32>,
        tpu.vector_store_idx %arg8[%add3A_7, %parallel_loop3A_153], %parallel_loop3A_156 : memref<64x129xf32, #tpu.memory_space<vmem>>[vector<16xi32>, vector<16xi32>], vector<16xf32>,
        %parallel_loop3A_157 = arith.index_cast %parallel_loop3A_152 : i32 to index
        %parallel_loop3A_158 = arith.constant 16 : index
        %parallel_loop3A_159 = tpu.vector_load %arg6[%parallel_loop3A_157, %parallel_loop3A_158] {strides = array<i32>} : memref<128x128xf32, #tpu.memory_space<vmem>>, vector<16xf32>,
        tpu.vector_store_idx %arg8[%add3A_10, %parallel_loop3A_153], %parallel_loop3A_159 : memref<64x129xf32, #tpu.memory_space<vmem>>[vector<16xi32>, vector<16xi32>], vector<16xf32>,
        %parallel_loop3A_160 = arith.index_cast %parallel_loop3A_152 : i32 to index
        %parallel_loop3A_161 = arith.constant 32 : index
        %parallel_loop3A_162 = tpu.vector_load %arg6[%parallel_loop3A_160, %parallel_loop3A_161] {strides = array<i32>} : memref<128x128xf32, #tpu.memory_space<vmem>>, vector<16xf32>,
        tpu.vector_store_idx %arg8[%add3A_13, %parallel_loop3A_153], %parallel_loop3A_162 : memref<64x129xf32, #tpu.memory_space<vmem>>[vector<16xi32>, vector<16xi32>], vector<16xf32>,
        %parallel_loop3A_163 = arith.index_cast %parallel_loop3A_152 : i32 to index
        %parallel_loop3A_164 = arith.constant 48 : index
        %parallel_loop3A_165 = tpu.vector_load %arg6[%parallel_loop3A_163, %parallel_loop3A_164] {strides = array<i32>} : memref<128x128xf32, #tpu.memory_space<vmem>>, vector<16xf32>,
        tpu.vector_store_idx %arg8[%add3A_16, %parallel_loop3A_153], %parallel_loop3A_165 : memref<64x129xf32, #tpu.memory_space<vmem>>[vector<16xi32>, vector<16xi32>], vector<16xf32>,
      } {sc.loop_unroll_factor = 16 : i64, sc.parallel_access}
      %add3A_83 = arith.addi %mul3A_2, %add3A_72 : i32
      %shift_right_logical3A_84 = arith.constant 7 : i32
      %shift_right_logical3A_85 = arith.shrui %add3A_83, %shift_right_logical3A_84 : i32
      %and3A_86 = arith.constant 127 : i32
      %and3A_87 = arith.andi %add3A_83, %and3A_86 : i32
      %mul3A_88 = arith.constant 128 : i32
      %mul3A_89 = arith.muli %and3A_87, %mul3A_88 : i32
      %dma_start3A_90 = arith.constant 0 : i32
      %dma_start3A_91 = arith.constant 0 : i32
      %dma_start3A_92 = tpu.memref_slice %arg8[%dma_start3A_90, %dma_start3A_91] : memref<64x129xf32, #tpu.memory_space<vmem>> -> memref<64x128xf32, #tpu.memory_space<vmem>>
      %dma_start3A_93 = arith.constant 0 : i32
      %dma_start3A_94 = tpu.memref_slice %arg4[%shift_right_logical3A_85, %dma_start3A_93, %mul3A_89] : memref<50x64x16384xf32, #tpu.memory_space<hbm>> -> memref<1x64x128xf32, #tpu.memory_space<hbm>>
      %dma_start3A_95 = tpu.memref_squeeze %dma_start3A_94 : memref<1x64x128xf32, #tpu.memory_space<hbm>> -> memref<64x128xf32, #tpu.memory_space<hbm>>
      %dma_start3A_96 = arith.constant 0 : i32
      %dma_start3A_97 = tpu.memref_slice %arg4[%shift_right_logical3A_85, %dma_start3A_96, %mul3A_89] : memref<50x64x16384xf32, #tpu.memory_space<hbm>> -> memref<1x64x128xf32, #tpu.memory_space<hbm>>
      %dma_start3A_98 = tpu.memref_squeeze %dma_start3A_97 : memref<1x64x128xf32, #tpu.memory_space<hbm>> -> memref<64x128xf32, #tpu.memory_space<hbm>>
      %dma_start3A_99 = arith.constant 0 : i32
      %dma_start3A_100 = arith.constant 0 : i32
      %dma_start3A_101 = tpu.memref_slice %arg8[%dma_start3A_99, %dma_start3A_100] : memref<64x129xf32, #tpu.memory_space<vmem>> -> memref<64x128xf32, #tpu.memory_space<vmem>>
      tpu.enqueue_dma source(%dma_start3A_101 : memref<64x128xf32, #tpu.memory_space<vmem>>) target(%dma_start3A_98 : memref<64x128xf32, #tpu.memory_space<hbm>>) target_semaphore(%arg12 : memref<!tpu.dma_semaphore, #tpu.memory_space<semaphore_mem>>)
      %add3A_102 = arith.constant 2 : i32
      %add3A_103 = arith.addi %add3A_72, %add3A_102 : i32
      %lt3A = arith.constant 200 : i32
      %lt3A_104 = arith.cmpi slt, %add3A_103, %lt3A : i32
      %convert_element_type3A_105 = arith.extui %lt3A_104 : i1 to i32
      %cond3A_106 = arith.constant 0 : i32
      %cond3A_107 = arith.cmpi ne, %convert_element_type3A_105, %cond3A_106 : i32
      scf.if %cond3A_107 {
        %add3A_152 = arith.constant 2 : i32
        %add3A_153 = arith.addi %add3A_72, %add3A_152 : i32
        %mul3A_154 = arith.constant 128 : i32
        %mul3A_155 = arith.muli %add3A_153, %mul3A_154 : i32
        %dma_start3A_156 = tpu.memref_slice %arg5[%mul3A_155] : memref<25600xi32, #tpu.memory_space<vmem>> -> memref<128xi32, #tpu.memory_space<vmem>>
        %dma_start3A_157 = arith.constant 0 : i32
        %dma_start3A_158 = arith.constant 0 : i32
        %dma_start3A_159 = tpu.memref_slice %arg2[%dma_start3A_157, %dma_start3A_158] : memref<1000000x128xf32, #tpu.memory_space<hbm>> -> memref<1000000x128xf32, #tpu.memory_space<hbm>>
        tpu.enqueue_indirect_dma source(%dma_start3A_159 : memref<1000000x128xf32, #tpu.memory_space<hbm>>) target(%arg6 : memref<128x128xf32, #tpu.memory_space<vmem>>) offsets(%dma_start3A_156 : memref<128xi32, #tpu.memory_space<vmem>>) semaphore(%arg10 : memref<!tpu.dma_semaphore, #tpu.memory_space<semaphore_mem>>)
      } else {
      }
      %mul3A_108 = arith.constant 2 : i32
      %mul3A_109 = arith.muli %scan3A_68, %mul3A_108 : i32
      %add3A_110 = arith.constant 1 : i32
      %add3A_111 = arith.addi %mul3A_109, %add3A_110 : i32
      %mul3A_112 = arith.constant 128 : i32
      %mul3A_113 = arith.muli %add3A_111, %mul3A_112 : i32
      %dma_wait3A_114 = tpu.memref_slice %arg5[%mul3A_113] : memref<25600xi32, #tpu.memory_space<vmem>> -> memref<128xi32, #tpu.memory_space<vmem>>
      %dma_wait3A_115 = arith.constant 0 : i32
      %dma_wait3A_116 = arith.constant 0 : i32
      %dma_wait3A_117 = tpu.memref_slice %arg2[%dma_wait3A_115, %dma_wait3A_116] : memref<1000000x128xf32, #tpu.memory_space<hbm>> -> memref<1000000x128xf32, #tpu.memory_space<hbm>>
      tpu.wait_indirect_dma semaphore(%arg11 : memref<!tpu.dma_semaphore, #tpu.memory_space<semaphore_mem>>) src(%dma_wait3A_117 : memref<1000000x128xf32, #tpu.memory_space<hbm>>) dst(%arg7 : memref<128x128xf32, #tpu.memory_space<vmem>>)
      %ge3A_118 = arith.constant 2 : i32
      %ge3A_119 = arith.cmpi sge, %add3A_111, %ge3A_118 : i32
      %convert_element_type3A_120 = arith.extui %ge3A_119 : i1 to i32
      %cond3A_121 = arith.constant 0 : i32
      %cond3A_122 = arith.cmpi ne, %convert_element_type3A_120, %cond3A_121 : i32
      scf.if %cond3A_122 {
        %sub3A = arith.constant 2 : i32
        %sub3A_152 = arith.subi %add3A_111, %sub3A : i32
        %add3A_153 = arith.addi %mul3A_2, %sub3A_152 : i32
        %shift_right_logical3A_154 = arith.constant 7 : i32
        %shift_right_logical3A_155 = arith.shrui %add3A_153, %shift_right_logical3A_154 : i32
        %and3A_156 = arith.constant 127 : i32
        %and3A_157 = arith.andi %add3A_153, %and3A_156 : i32
        %mul3A_158 = arith.constant 128 : i32
        %mul3A_159 = arith.muli %and3A_157, %mul3A_158 : i32
        %dma_wait3A_160 = arith.constant 0 : i32
        %dma_wait3A_161 = arith.constant 0 : i32
        %dma_wait3A_162 = tpu.memref_slice %arg9[%dma_wait3A_160, %dma_wait3A_161] : memref<64x129xf32, #tpu.memory_space<vmem>> -> memref<64x128xf32, #tpu.memory_space<vmem>>
        %dma_wait3A_163 = arith.constant 0 : i32
        %dma_wait3A_164 = tpu.memref_slice %arg4[%shift_right_logical3A_155, %dma_wait3A_163, %mul3A_159] : memref<50x64x16384xf32, #tpu.memory_space<hbm>> -> memref<1x64x128xf32, #tpu.memory_space<hbm>>
        %dma_wait3A_165 = tpu.memref_squeeze %dma_wait3A_164 : memref<1x64x128xf32, #tpu.memory_space<hbm>> -> memref<64x128xf32, #tpu.memory_space<hbm>>
        %dma_wait3A_166 = arith.constant 0 : i32
        %dma_wait3A_167 = tpu.memref_slice %arg4[%shift_right_logical3A_155, %dma_wait3A_166, %mul3A_159] : memref<50x64x16384xf32, #tpu.memory_space<hbm>> -> memref<1x64x128xf32, #tpu.memory_space<hbm>>
        %dma_wait3A_168 = tpu.memref_squeeze %dma_wait3A_167 : memref<1x64x128xf32, #tpu.memory_space<hbm>> -> memref<64x128xf32, #tpu.memory_space<hbm>>
        %dma_wait3A_169 = arith.constant 0 : i32
        %dma_wait3A_170 = arith.constant 0 : i32
        %dma_wait3A_171 = tpu.memref_slice %arg9[%dma_wait3A_169, %dma_wait3A_170] : memref<64x129xf32, #tpu.memory_space<vmem>> -> memref<64x128xf32, #tpu.memory_space<vmem>>
        tpu.wait_dma2 semaphore(%arg13 : memref<!tpu.dma_semaphore, #tpu.memory_space<semaphore_mem>>) src(%dma_wait3A_171 : memref<64x128xf32, #tpu.memory_space<vmem>>) dst(%dma_wait3A_168 : memref<64x128xf32, #tpu.memory_space<hbm>>)
      } else {
      }
      %parallel_loop3A_123 = arith.constant 0 : i32
      %parallel_loop3A_124 = arith.constant 128 : i32
      %parallel_loop3A_125 = arith.constant 1 : i32
      scf.for %parallel_loop3A_152 = %parallel_loop3A_123 to %parallel_loop3A_124 step %parallel_loop3A_125  : i32 {
        %parallel_loop3A_153 = vector.broadcast %parallel_loop3A_152 : i32 to vector<16xi32>
        %parallel_loop3A_154 = arith.index_cast %parallel_loop3A_152 : i32 to index
        %parallel_loop3A_155 = arith.constant 0 : index
        %parallel_loop3A_156 = tpu.vector_load %arg7[%parallel_loop3A_154, %parallel_loop3A_155] {strides = array<i32>} : memref<128x128xf32, #tpu.memory_space<vmem>>, vector<16xf32>,
        tpu.vector_store_idx %arg9[%add3A_7, %parallel_loop3A_153], %parallel_loop3A_156 : memref<64x129xf32, #tpu.memory_space<vmem>>[vector<16xi32>, vector<16xi32>], vector<16xf32>,
        %parallel_loop3A_157 = arith.index_cast %parallel_loop3A_152 : i32 to index
        %parallel_loop3A_158 = arith.constant 16 : index
        %parallel_loop3A_159 = tpu.vector_load %arg7[%parallel_loop3A_157, %parallel_loop3A_158] {strides = array<i32>} : memref<128x128xf32, #tpu.memory_space<vmem>>, vector<16xf32>,
        tpu.vector_store_idx %arg9[%add3A_10, %parallel_loop3A_153], %parallel_loop3A_159 : memref<64x129xf32, #tpu.memory_space<vmem>>[vector<16xi32>, vector<16xi32>], vector<16xf32>,
        %parallel_loop3A_160 = arith.index_cast %parallel_loop3A_152 : i32 to index
        %parallel_loop3A_161 = arith.constant 32 : index
        %parallel_loop3A_162 = tpu.vector_load %arg7[%parallel_loop3A_160, %parallel_loop3A_161] {strides = array<i32>} : memref<128x128xf32, #tpu.memory_space<vmem>>, vector<16xf32>,
        tpu.vector_store_idx %arg9[%add3A_13, %parallel_loop3A_153], %parallel_loop3A_162 : memref<64x129xf32, #tpu.memory_space<vmem>>[vector<16xi32>, vector<16xi32>], vector<16xf32>,
        %parallel_loop3A_163 = arith.index_cast %parallel_loop3A_152 : i32 to index
        %parallel_loop3A_164 = arith.constant 48 : index
        %parallel_loop3A_165 = tpu.vector_load %arg7[%parallel_loop3A_163, %parallel_loop3A_164] {strides = array<i32>} : memref<128x128xf32, #tpu.memory_space<vmem>>, vector<16xf32>,
        tpu.vector_store_idx %arg9[%add3A_16, %parallel_loop3A_153], %parallel_loop3A_165 : memref<64x129xf32, #tpu.memory_space<vmem>>[vector<16xi32>, vector<16xi32>], vector<16xf32>,
      } {sc.loop_unroll_factor = 16 : i64, sc.parallel_access}
      %add3A_126 = arith.addi %mul3A_2, %add3A_111 : i32
      %shift_right_logical3A_127 = arith.constant 7 : i32
      %shift_right_logical3A_128 = arith.shrui %add3A_126, %shift_right_logical3A_127 : i32
      %and3A_129 = arith.constant 127 : i32
      %and3A_130 = arith.andi %add3A_126, %and3A_129 : i32
      %mul3A_131 = arith.constant 128 : i32
      %mul3A_132 = arith.muli %and3A_130, %mul3A_131 : i32
      %dma_start3A_133 = arith.constant 0 : i32
      %dma_start3A_134 = arith.constant 0 : i32
      %dma_start3A_135 = tpu.memref_slice %arg9[%dma_start3A_133, %dma_start3A_134] : memref<64x129xf32, #tpu.memory_space<vmem>> -> memref<64x128xf32, #tpu.memory_space<vmem>>
      %dma_start3A_136 = arith.constant 0 : i32
      %dma_start3A_137 = tpu.memref_slice %arg4[%shift_right_logical3A_128, %dma_start3A_136, %mul3A_132] : memref<50x64x16384xf32, #tpu.memory_space<hbm>> -> memref<1x64x128xf32, #tpu.memory_space<hbm>>
      %dma_start3A_138 = tpu.memref_squeeze %dma_start3A_137 : memref<1x64x128xf32, #tpu.memory_space<hbm>> -> memref<64x128xf32, #tpu.memory_space<hbm>>
      %dma_start3A_139 = arith.constant 0 : i32
      %dma_start3A_140 = tpu.memref_slice %arg4[%shift_right_logical3A_128, %dma_start3A_139, %mul3A_132] : memref<50x64x16384xf32, #tpu.memory_space<hbm>> -> memref<1x64x128xf32, #tpu.memory_space<hbm>>
      %dma_start3A_141 = tpu.memref_squeeze %dma_start3A_140 : memref<1x64x128xf32, #tpu.memory_space<hbm>> -> memref<64x128xf32, #tpu.memory_space<hbm>>
      %dma_start3A_142 = arith.constant 0 : i32
      %dma_start3A_143 = arith.constant 0 : i32
      %dma_start3A_144 = tpu.memref_slice %arg9[%dma_start3A_142, %dma_start3A_143] : memref<64x129xf32, #tpu.memory_space<vmem>> -> memref<64x128xf32, #tpu.memory_space<vmem>>
      tpu.enqueue_dma source(%dma_start3A_144 : memref<64x128xf32, #tpu.memory_space<vmem>>) target(%dma_start3A_141 : memref<64x128xf32, #tpu.memory_space<hbm>>) target_semaphore(%arg13 : memref<!tpu.dma_semaphore, #tpu.memory_space<semaphore_mem>>)
      %add3A_145 = arith.constant 2 : i32
      %add3A_146 = arith.addi %add3A_111, %add3A_145 : i32
      %lt3A_147 = arith.constant 200 : i32
      %lt3A_148 = arith.cmpi slt, %add3A_146, %lt3A_147 : i32
      %convert_element_type3A_149 = arith.extui %lt3A_148 : i1 to i32
      %cond3A_150 = arith.constant 0 : i32
      %cond3A_151 = arith.cmpi ne, %convert_element_type3A_149, %cond3A_150 : i32
      scf.if %cond3A_151 {
        %add3A_152 = arith.constant 2 : i32
        %add3A_153 = arith.addi %add3A_111, %add3A_152 : i32
        %mul3A_154 = arith.constant 128 : i32
        %mul3A_155 = arith.muli %add3A_153, %mul3A_154 : i32
        %dma_start3A_156 = tpu.memref_slice %arg5[%mul3A_155] : memref<25600xi32, #tpu.memory_space<vmem>> -> memref<128xi32, #tpu.memory_space<vmem>>
        %dma_start3A_157 = arith.constant 0 : i32
        %dma_start3A_158 = arith.constant 0 : i32
        %dma_start3A_159 = tpu.memref_slice %arg2[%dma_start3A_157, %dma_start3A_158] : memref<1000000x128xf32, #tpu.memory_space<hbm>> -> memref<1000000x128xf32, #tpu.memory_space<hbm>>
        tpu.enqueue_indirect_dma source(%dma_start3A_159 : memref<1000000x128xf32, #tpu.memory_space<hbm>>) target(%arg7 : memref<128x128xf32, #tpu.memory_space<vmem>>) offsets(%dma_start3A_156 : memref<128xi32, #tpu.memory_space<vmem>>) semaphore(%arg11 : memref<!tpu.dma_semaphore, #tpu.memory_space<semaphore_mem>>)
      } else {
      }
    }
    %scan3A_30 = arith.constant 100 : i32
    %add3A_31 = arith.constant 198 : i32
    %add3A_32 = arith.addi %mul3A_2, %add3A_31 : i32
    %shift_right_logical3A = arith.constant 7 : i32
    %shift_right_logical3A_33 = arith.shrui %add3A_32, %shift_right_logical3A : i32
    %and3A = arith.constant 127 : i32
    %and3A_34 = arith.andi %add3A_32, %and3A : i32
    %mul3A_35 = arith.constant 128 : i32
    %mul3A_36 = arith.muli %and3A_34, %mul3A_35 : i32
    %dma_wait3A = arith.constant 0 : i32
    %dma_wait3A_37 = arith.constant 0 : i32
    %dma_wait3A_38 = tpu.memref_slice %arg8[%dma_wait3A, %dma_wait3A_37] : memref<64x129xf32, #tpu.memory_space<vmem>> -> memref<64x128xf32, #tpu.memory_space<vmem>>
    %dma_wait3A_39 = arith.constant 0 : i32
    %dma_wait3A_40 = tpu.memref_slice %arg4[%shift_right_logical3A_33, %dma_wait3A_39, %mul3A_36] : memref<50x64x16384xf32, #tpu.memory_space<hbm>> -> memref<1x64x128xf32, #tpu.memory_space<hbm>>
    %dma_wait3A_41 = tpu.memref_squeeze %dma_wait3A_40 : memref<1x64x128xf32, #tpu.memory_space<hbm>> -> memref<64x128xf32, #tpu.memory_space<hbm>>
    %dma_wait3A_42 = arith.constant 0 : i32
    %dma_wait3A_43 = tpu.memref_slice %arg4[%shift_right_logical3A_33, %dma_wait3A_42, %mul3A_36] : memref<50x64x16384xf32, #tpu.memory_space<hbm>> -> memref<1x64x128xf32, #tpu.memory_space<hbm>>
    %dma_wait3A_44 = tpu.memref_squeeze %dma_wait3A_43 : memref<1x64x128xf32, #tpu.memory_space<hbm>> -> memref<64x128xf32, #tpu.memory_space<hbm>>
    %dma_wait3A_45 = arith.constant 0 : i32
    %dma_wait3A_46 = arith.constant 0 : i32
    %dma_wait3A_47 = tpu.memref_slice %arg8[%dma_wait3A_45, %dma_wait3A_46] : memref<64x129xf32, #tpu.memory_space<vmem>> -> memref<64x128xf32, #tpu.memory_space<vmem>>
    tpu.wait_dma2 semaphore(%arg12 : memref<!tpu.dma_semaphore, #tpu.memory_space<semaphore_mem>>) src(%dma_wait3A_47 : memref<64x128xf32, #tpu.memory_space<vmem>>) dst(%dma_wait3A_44 : memref<64x128xf32, #tpu.memory_space<hbm>>)
    %add3A_48 = arith.constant 199 : i32
    %add3A_49 = arith.addi %mul3A_2, %add3A_48 : i32
    %shift_right_logical3A_50 = arith.constant 7 : i32
    %shift_right_logical3A_51 = arith.shrui %add3A_49, %shift_right_logical3A_50 : i32
    %and3A_52 = arith.constant 127 : i32
    %and3A_53 = arith.andi %add3A_49, %and3A_52 : i32
    %mul3A_54 = arith.constant 128 : i32
    %mul3A_55 = arith.muli %and3A_53, %mul3A_54 : i32
    %dma_wait3A_56 = arith.constant 0 : i32
    %dma_wait3A_57 = arith.constant 0 : i32
    %dma_wait3A_58 = tpu.memref_slice %arg9[%dma_wait3A_56, %dma_wait3A_57] : memref<64x129xf32, #tpu.memory_space<vmem>> -> memref<64x128xf32, #tpu.memory_space<vmem>>
    %dma_wait3A_59 = arith.constant 0 : i32
    %dma_wait3A_60 = tpu.memref_slice %arg4[%shift_right_logical3A_51, %dma_wait3A_59, %mul3A_55] : memref<50x64x16384xf32, #tpu.memory_space<hbm>> -> memref<1x64x128xf32, #tpu.memory_space<hbm>>
    %dma_wait3A_61 = tpu.memref_squeeze %dma_wait3A_60 : memref<1x64x128xf32, #tpu.memory_space<hbm>> -> memref<64x128xf32, #tpu.memory_space<hbm>>
    %dma_wait3A_62 = arith.constant 0 : i32
    %dma_wait3A_63 = tpu.memref_slice %arg4[%shift_right_logical3A_51, %dma_wait3A_62, %mul3A_55] : memref<50x64x16384xf32, #tpu.memory_space<hbm>> -> memref<1x64x128xf32, #tpu.memory_space<hbm>>
    %dma_wait3A_64 = tpu.memref_squeeze %dma_wait3A_63 : memref<1x64x128xf32, #tpu.memory_space<hbm>> -> memref<64x128xf32, #tpu.memory_space<hbm>>
    %dma_wait3A_65 = arith.constant 0 : i32
    %dma_wait3A_66 = arith.constant 0 : i32
    %dma_wait3A_67 = tpu.memref_slice %arg9[%dma_wait3A_65, %dma_wait3A_66] : memref<64x129xf32, #tpu.memory_space<vmem>> -> memref<64x128xf32, #tpu.memory_space<vmem>>
    tpu.wait_dma2 semaphore(%arg13 : memref<!tpu.dma_semaphore, #tpu.memory_space<semaphore_mem>>) src(%dma_wait3A_67 : memref<64x128xf32, #tpu.memory_space<vmem>>) dst(%dma_wait3A_64 : memref<64x128xf32, #tpu.memory_space<hbm>>)
    return
  }
}

</mosaic_0001>

<sc_bundles>
// kernel: kernel.3.cloned.1.call-start
scs
__scs_entry_jumppad:
0x0: {  	(pc) =	sbr.rel $0x88, $3  }
0x1: {  	(tag) =	ssettag $0x0;
	lr =	simm.s32 $0x1  }
0x2: {  	[smem:$0x3F9F] =	sst lr;
	_ =	strace $0xD0000000  }
0x3: {  	_ = 	snop  }
0x4: {  	_ = 	snop  }
0x5: {  	_ = 	snop  }
0x6: {  	_ = 	snop  }
0x7: {  	_ = 	snop  }
__scs_overlays_trampoline_lowered:
0x8: {  	[smem:$0x3FAE] =	sst s0  }
0x9: {  	[smem:$0x3FAF] =	sst s1  }
0xa: {  	[smem:$0x3FB0] =	sst s2  }
0xb: {  	[smem:$0x3FB1] =	sst s3  }
0xc: {  	[smem:$0x3FB2] =	sst s4  }
0xd: {  	[smem:$0x3FB3] =	sst s5  }
0xe: {  	[smem:$0x3FB4] =	sst s6  }
0xf: {  	[smem:$0x3FB5] =	sst s7  }
0x10: {  	[smem:$0x3FB6] =	sst s8  }
0x11: {  	[smem:$0x3FB7] =	sst s9;
	s0 =	simm.s32 @!p0 $0x0  }
0x12: {  	s1 =	sld [smem:$0x3F9D];
	s0 =	simm.s32 @p0 $0x1  }
0x13: {  	[smem:$0x3FB8] =	sst s0;
	s0 =	simm.s32 @!p1 $0x0  }
0x14: {  	s2 =	sld [smem:$0x3F9C];
	s0 =	simm.s32 @p1 $0x1  }
0x15: {  	[smem:$0x3FB9] =	sst s0;
	s0 =	simm.s32 @!p2 $0x0  }
0x16: {  	s3 =	sld [smem:$0x3FDB];
	s0 =	simm.s32 @p2 $0x1  }
0x17: {  	s4 =	simm.s32 $0x1BF5;
	[smem:$0x3FBB] =	sst s0  }
0x18: {  	s0 =	sld [smem:$0x3F9E];
	_ =	swait.ge [sflag:s4], $0x0  }
0x19: {  	s7 =	sld [smem:$0x3F9F]  }
0x1a: {  	s8 =	sadd.s32 $0xFFFFE003, lr  }
0x1b: {  	s9 =	sadd.s32 $0xFFFFFEF7, lr;
	s5 =	simm.s32 $0xFFFFFFFF;
	p2 =	slt.u32 s8, $0xFFFFF086  }
0x1c: {  	p1 =	slt.u32 s9, $0xF7A;
	s5 =	simm.s32 @!p2 $0x0  }
0x1d: {  	s5 =	simm.s32 @p1 $0x1;
	p0 =	seq.s32 s7, s2  }
0x1e: {  	s7 =	smul.u32 @!p0 $0xF7A, s2;
	p2 =	seq.s32 @!p0 s5, $0x0  }
0x1f: {  	s9 =	smul.u32 $0xF7A, s1;
	s8 =	simm.s32 @!p0 $0x1BF5;
	p2 =	por !p2, p0  }
0x20: {  	[sflag:s8] =	ssyncset.s32 @!p0 $0xFFFFF086;
	s6 =	sadd.s32 @!p0 s3, s7;
	s7 =	simm.s32 @!p0 $0x108  }
0x21: {  	s3 =	sadd.s32 s3, s9;
	s6 =	sadd.s32 @!p0 $0x88, s6;
	s7 =	simm.s32 @p2 $0x1082  }
0x22: {  	[simem:s7], [sflag:s8] =	dma.local @!p0 [hbm:s6], $0xF7A  }
0x23: {  	s9 =	sor.u32 $0xD0000000, s2;
	s6 =	simm.s32 $0x108;
	_ =	swait.ge @!p0 [sflag:s8], $0x0  }
0x24: {  	s3 =	sadd.s32 $0x88, s3;
	s6 =	simm.s32 @!p1 $0x1082;
	[sflag:s4] =	ssyncset.s32 $0xFFFFF086  }
0x25: {  	[simem:s6], [sflag:s4] =	dma.local [hbm:s3], $0xF7A  }
0x26: {  	[smem:$0x3F9F] =	sst s1;
	(tag) =	ssettag s2;
	_ =	strace s9  }
0x27: {  	s1 =	sld [smem:$0x3FAF]  }
0x28: {  	s2 =	sld [smem:$0x3FB0]  }
0x29: {  	s4 =	sld [smem:$0x3FB2]  }
0x2a: {  	p0 =	seq.s32 s5, $0x0;
	s5 =	sld [smem:$0x3FB3]  }
0x2b: {  	s6 =	sld [smem:$0x3FB4]  }
0x2c: {  	s7 =	sld [smem:$0x3FB5]  }
0x2d: {  	s3 =	simm.s32 $0x108;
	s8 =	sld [smem:$0x3FB6]  }
0x2e: {  	s3 =	simm.s32 @!p0 $0x1082;
	s9 =	sld [smem:$0x3FB7]  }
0x2f: {  	lr =	sadd.s32 s0, s3;
	s0 =	sld [smem:$0x3FAE]  }
0x30: {  	s3 =	sld [smem:$0x3FB1]  }
0x31: {  	[smem:$0x3FBA] =	sst s10  }
0x32: {  	s10 =	sld [smem:$0x3FB8];
	_ =	sdelay $0x3  }
0x33: {  	p0 =	seq.s32 s10, $0x1;
	s10 =	sld [smem:$0x3FBA];
	_ =	sdelay $0x3  }
0x34: {  	[smem:$0x3FBA] =	sst s10  }
0x35: {  	s10 =	sld [smem:$0x3FB9];
	_ =	sdelay $0x3  }
0x36: {  	p1 =	seq.s32 s10, $0x1;
	s10 =	sld [smem:$0x3FBA];
	_ =	sdelay $0x3  }
0x37: {  	[smem:$0x3FBA] =	sst s10  }
0x38: {  	s10 =	sld [smem:$0x3FBB]  }
0x39: {  	_ = 	snop;
	(pc) =	sbr.ind lr, $3  }
0x3a: {  	_ = 	snop  }
0x3b: {  	_ = 	snop  }
0x3c: {  	p2 =	seq.s32 s10, $0x1;
	s10 =	sld [smem:$0x3FBA]  }
0x3d: {  	_ =	shalt  }
0x3e: {  	_ =	shalt  }
0x3f: {  	_ =	shalt  }
0x40: {  	_ =	shalt  }
0x41: {  	_ =	shalt  }
0x42: {  	_ =	shalt  }
0x43: {  	_ =	shalt  }
0x44: {  	_ =	shalt  }
0x45: {  	_ =	shalt  }
0x46: {  	_ =	shalt  }
0x47: {  	_ =	shalt  }
0x48: {  	_ =	shalt  }
0x49: {  	_ =	shalt  }
0x4a: {  	_ =	shalt  }
0x4b: {  	_ =	shalt  }
0x4c: {  	_ =	shalt  }
0x4d: {  	_ =	shalt  }
0x4e: {  	_ =	shalt  }
0x4f: {  	_ =	shalt  }
0x50: {  	_ =	shalt  }
0x51: {  	_ =	shalt  }
0x52: {  	_ =	shalt  }
0x53: {  	_ =	shalt  }
0x54: {  	_ =	shalt  }
0x55: {  	_ =	shalt  }
0x56: {  	_ =	shalt  }
0x57: {  	_ =	shalt  }
0x58: {  	_ =	shalt  }
0x59: {  	_ =	shalt  }
0x5a: {  	_ =	shalt  }
0x5b: {  	_ =	shalt  }
0x5c: {  	_ =	shalt  }
0x5d: {  	_ =	shalt  }
0x5e: {  	_ =	shalt  }
0x5f: {  	_ =	shalt  }
0x60: {  	_ =	shalt  }
0x61: {  	_ =	shalt  }
0x62: {  	_ =	shalt  }
0x63: {  	_ =	shalt  }
0x64: {  	_ =	shalt  }
0x65: {  	_ =	shalt  }
0x66: {  	_ =	shalt  }
0x67: {  	_ =	shalt  }
0x68: {  	_ =	shalt  }
0x69: {  	_ =	shalt  }
0x6a: {  	_ =	shalt  }
0x6b: {  	_ =	shalt  }
0x6c: {  	_ =	shalt  }
0x6d: {  	_ =	shalt  }
0x6e: {  	_ =	shalt  }
0x6f: {  	_ =	shalt  }
0x70: {  	_ =	shalt  }
0x71: {  	_ =	shalt  }
0x72: {  	_ =	shalt  }
0x73: {  	_ =	shalt  }
0x74: {  	_ =	shalt  }
0x75: {  	_ =	shalt  }
0x76: {  	_ =	shalt  }
0x77: {  	_ =	shalt  }
0x78: {  	_ =	shalt  }
0x79: {  	_ =	shalt  }
0x7a: {  	_ =	shalt  }
0x7b: {  	_ =	shalt  }
0x7c: {  	_ =	shalt  }
0x7d: {  	_ =	shalt  }
0x7e: {  	_ =	shalt  }
0x7f: {  	_ =	shalt  }
0x80: {  	_ =	shalt  }
0x81: {  	_ =	shalt  }
0x82: {  	_ =	shalt  }
0x83: {  	_ =	shalt  }
0x84: {  	_ =	shalt  }
0x85: {  	_ =	shalt  }
0x86: {  	_ =	shalt  }
0x87: {  	_ =	shalt  }
.Lfunc_end0:
.L_simem_size_0:
called_computation_lowered:
.L_overlay_start_0:
0x88: {  	s2 =	sld [smem:$0x3FD9]  }
0x89: {  	s3 =	sld [smem:$0x3FFE];
	_ =	sdelay $0x1  }
0x8a: {  	s1 =	srdreg.scid  }
0x8b: {  	s0 =	sand.u32 $0x1, s1  }
0x8c: {  	s17 =	sshll.u32 s0, $0xA;
	s2 =	sadd.s32 s3, s2  }
0x8d: {  	s2 =	sadd.s32 s2, s17  }
0x8e: {  	[smem:$0x3FC6] =	sst s2  }
0x8f: {  	_ = 	snop  }
0x90: {  	s2 =	sld [smem:$0x3FD0];
	(tm) =	ssettm $0x1  }
0x91: {  	s18 =	sld [smem:$0x3FFB];
	_ =	sdelay $0x3  }
0x92: {  	_ =	strace s18  }
0x93: {  	s3 =	sld [smem:$0x3FFC];
	_ =	sdelay $0x3  }
0x94: {  	_ =	strace s3  }
0x95: {  	s3 =	sld [smem:$0x3FFD];
	_ =	sdelay $0x3  }
0x96: {  	_ =	strace s3  }
0x97: {  	_ =	strace $0x8FFFFFFF  }
0x98: {  	s19 =	sld [smem:$0x3FDB];
	_ =	sdelay $0x1  }
0x99: {  	s4 =	simm.s32 $_scs_section_size  }
0x9a: {  	s5 =	simm.s32 $_size__tile_overlayer_lowered;
	s6 =	simm.s32 $_tile_overlayer_lowered  }
0x9b: {  	s22 =	simm.s32 $0x1BFF;
	s21 =	sshll.u32 s6, $0x1;
	s3 =	sadd.s32 s4, s19  }
0x9c: {  	s7 =	simm.s32 $0x0;
	s20 =	sshll.u32 s5, $0x1;
	s5 =	sadd.s32 s21, s3  }
0x9d: {  	[timem:s7], [sflag:s22] =	dma.local [hbm:s5], s20  }
0x9e: {  	_ =	swait.ge [sflag:s22], s20  }
0x9f: {  	s4 =	ssub.s32 $0x0, s20;
	[sflag:s22] =	ssyncset.done $0x0  }
0xa0: {  	[sflag:s22] =	ssyncadd.s32 s4;
	_ =	sdelay $0x1  }
0xa1: {  	s23 =	simm.s32 $0x1B8B  }
0xa2: {  	_ =	swait.ge [sflag:s23], $0x1  }
0xa3: {  	[sflag:s23] =	ssyncset.done $0x0  }
0xa4: {  	s25 =	simm.s32 $0x1B8E;
	s24 =	sld [smem:$0x3FFE];
	[sflag:s23] =	ssyncadd.s32 $0xFFFFFFFF  }
0xa5: {  	s26 =	simm.s32 $execute0_lowered;
	[smem:$0x3FD2] =	sst s25  }
0xa6: {  	s5 =	sshll.u32 s26, $0x1;
	_ =	strace $0x80000046;
	[dreg:$0x1] =	wrdreg $0xFFFFFFFF  }
0xa7: {  	s28 =	simm.s32 $_size_execute0_lowered;
	s3 =	sadd.s32 s3, s5;
	[dreg:$0x0] =	wrdreg $0x0  }
0xa8: {  	s5 =	sshll.u32 s28, $0x1;
	[dreg:$0x2] =	wrdreg s3  }
0xa9: {  	[dreg:$0x3] =	wrdreg s5  }
0xaa: {  	[dreg:$0x4] =	wrdreg $0xC0  }
0xab: {  	_ =	task [dreg:s7], $0x5FFFF  }
0xac: {  	[dreg:$0x1] =	wrdreg $0xFFFFFFFF  }
0xad: {  	[dreg:$0x0] =	wrdreg $0x60  }
0xae: {  	[dreg:$0x2] =	wrdreg s24  }
0xaf: {  	[dreg:$0x3] =	wrdreg s2  }
0xb0: {  	[dreg:$0x4] =	wrdreg $0x9  }
0xb1: {  	_ =	task.clear_ibuf [dreg:s7], $0x5FFFF;
	_ =	strace $0x90000046  }
0xb2: {  	s29 =	simm.s32 $0x9;
	_ =	strace $0x80000048  }
0xb3: {  	_ =	swait.ge [sflag:s29], $0x1  }
0xb4: {  	[sflag:s29] =	ssyncadd.s32 $0xFFFFFFFF  }
0xb5: {  	_ =	strace $0x90000048  }
0xb6: {  	_ =	sfence  }
0xb7: {  	s30 =	sld [smem:$0x0];
	_ =	sdelay $0x2  }
0xb8: {  	s31 =	sshll.u32 s1, $0xD;
	s1 =	sshrl.u32 s1, $0x2  }
0xb9: {  	s3 =	sand.u32 $0x4000, s31;
	s1 =	sadd.s32 s1, s30  }
0xba: {  	s0 =	sor.u32 s3, s0;
	s1 =	sshll.u32 s1, $0x11  }
0xbb: {  	s0 =	sor.u32 s1, s0  }
0xbc: {  	s0 =	sadd.s32 $0x8F2B, s0  }
0xbd: {  	[sflag:s0] =	ssyncadd.remote.s32 $0x1  }
0xbe: {  	_ =	sfence.sel $0xFFFF  }
0xbf: {  	[dreg:$0x0] =	wrdreg $0xFFFFFFFF;
	(pc) =	sbr.abs _section_cstart, $3  }
0xc0: {  	[dreg:$0x1] =	wrdreg $0xFFFFFFFF  }
0xc1: {  	_ =	task.clear_ibuf [dreg:s7], $0x2FFFF;
	_ =	strace $0x9FFFFFFF  }
0xc2: {  	(tm) =	ssettm $0x7FFFFFFF  }
0xc3: {  	_ =	shalt  }
tec
execute0_lowered:
.L_overlay_start_1:
0x0: {  	(tag) =	ssettag $0x1  }
0x1: {  	v0 =	vimm.s32 $0xB80  }
0x2: {  	vm14 =	vcmask $0x300;
	vm13 =	vcmask $0x704;
	vm12 =	vcmask $0xB08  }
0x3: {  	vm11 =	vcmask $0xF0C;
	vm10 =	vcmask $0x1310;
	vm9 =	vcmask $0x1714  }
0x4: {  	vm8 =	vcmask $0x1B18;
	vm7 =	vcmask $0x1F1C;
	vm6 =	vcmask $0x2320  }
0x5: {  	vm5 =	vcmask $0x2724;
	vm4 =	vcmask $0x2B28;
	vm3 =	vcmask $0x2F2C  }
0x6: {  	vm2 =	vcmask $0x3330;
	vm1 =	vcmask $0x3734;
	vm0 =	vcmask $0x3B38  }
0x7: {  	v1 =	vimm.s32 $0x1B80;
	v2 =	vimm.s32 $0x2B80;
	v3 =	vimm.s32 $0x3B80  }
0x8: {  	v0 =	vsel vm14, $0x0, v0;
	v1 =	vsel vm14, $0x1000, v1;
	v2 =	vsel vm14, $0x2000, v2  }
0x9: {  	v3 =	vsel vm14, $0x3000, v3;
	v0 =	vsel vm13, $0x80, v0;
	v1 =	vsel vm13, $0x1080, v1  }
0xa: {  	v2 =	vsel vm13, $0x2080, v2;
	v3 =	vsel vm13, $0x3080, v3;
	v0 =	vsel vm12, $0x100, v0  }
0xb: {  	v1 =	vsel vm12, $0x1100, v1;
	v2 =	vsel vm12, $0x2100, v2;
	v3 =	vsel vm12, $0x3100, v3  }
0xc: {  	v0 =	vsel vm11, $0x180, v0;
	v1 =	vsel vm11, $0x1180, v1;
	v2 =	vsel vm11, $0x2180, v2  }
0xd: {  	v3 =	vsel vm11, $0x3180, v3;
	v0 =	vsel vm10, $0x200, v0;
	v1 =	vsel vm10, $0x1200, v1  }
0xe: {  	v2 =	vsel vm10, $0x2200, v2;
	v3 =	vsel vm10, $0x3200, v3;
	v0 =	vsel vm9, $0x280, v0  }
0xf: {  	v1 =	vsel vm9, $0x1280, v1;
	v2 =	vsel vm9, $0x2280, v2;
	v3 =	vsel vm9, $0x3280, v3  }
0x10: {  	v0 =	vsel vm8, $0x300, v0;
	v1 =	vsel vm8, $0x1300, v1;
	v2 =	vsel vm8, $0x2300, v2  }
0x11: {  	s0 =	rddreg [dreg:$0x0];
	v3 =	vsel vm8, $0x3300, v3;
	v0 =	vsel vm7, $0x380, v0;
	v1 =	vsel vm7, $0x1380, v1  }
0x12: {  	s1 =	rddreg [dreg:$0x1];
	v2 =	vsel vm7, $0x2380, v2;
	v3 =	vsel vm7, $0x3380, v3;
	v0 =	vsel vm6, $0x800, v0  }
0x13: {  	s2 =	srdreg.scid;
	s4 =	stileid.u32;
	s3 =	simm.s32 $0x0;
	v1 =	vsel vm6, $0x1800, v1;
	v2 =	vsel vm6, $0x2800, v2;
	v3 =	vsel vm6, $0x3800, v3  }
0x14: {  	s9 =	simm.s32 $0x80;
	s2 =	sand.u32 $0x1, s2;
	s4 =	sshll.u32 s4, $0x1;
	v0 =	vsel vm5, $0x880, v0;
	v1 =	vsel vm5, $0x1880, v1;
	v2 =	vsel vm5, $0x2880, v2  }
0x15: {  	s12 =	simm.s32 $0x1;
	s13 =	simm.s32 $0xE400;
	s5 =	sor.u32 s2, s4;
	v3 =	vsel vm5, $0x3880, v3;
	v0 =	vsel vm4, $0x900, v0;
	v1 =	vsel vm4, $0x1900, v1  }
0x16: {  	s21 =	simm.s32 $0x2;
	s2 =	ssub.s32 $0x2, s2;
	s6 =	smul.u32 $0xC80, s5;
	v2 =	vsel vm4, $0x2900, v2;
	v3 =	vsel vm4, $0x3900, v3;
	v0 =	vsel vm3, $0x980, v0  }
.Ltmp0:
0x17: {  	[smem:$0x7FF] =	sst s3;
	s7 =	sshrl.u32 s2, $0x1;
	v1 =	vsel vm3, $0x1980, v1;
	v2 =	vsel vm3, $0x2980, v2;
	v3 =	vsel vm3, $0x3980, v3;
	(pc) =	sbr.rel .LBB2_1-.Ltmp0, $4  }
0x18: {  	s22 =	simm.s32 $0x12400;
	_ =	strace $0x80000047;
	s2 =	ssub.s32 s2, s7;
	v0 =	vsel vm2, $0xA00, v0;
	v1 =	vsel vm2, $0x1A00, v1;
	v2 =	vsel vm2, $0x2A00, v2  }
0x19: {  	s4 =	sadd.s32 $0xF5BA00, s0;
	s0 =	sadd.s32 s6, s0;
	s31 =	smax.u32 s2, $0x1;
	v3 =	vsel vm2, $0x3A00, v3;
	v0 =	vsel vm1, $0xA80, v0;
	v1 =	vsel vm1, $0x1A80, v1  }
0x1a: {  	s30 =	simm.s32 $0x15C00;
	s0 =	sadd.s32 $0xF42A00, s0;
	[dreg:$0x4] =	wrdreg s31;
	v2 =	vsel vm1, $0x2A80, v2;
	v3 =	vsel vm1, $0x3A80, v3;
	v0 =	vsel vm0, $0xB00, v0  }
0x1b: {  	s5 =	smul.u32 $0xC8, s5;
	s6 =	simm.s32 $0x0;
	[dreg:$0x3] =	wrdreg s0;
	v1 =	vsel vm0, $0x1B00, v1;
	v2 =	vsel vm0, $0x2B00, v2;
	v3 =	vsel vm0, $0x3B00, v3  }
.LBB2_8:
0x1c: {  	s0 =	simm.s32 $0x3  }
0x1d: {  	_ =	swait.ge [sflag:s0], $0x2000  }
0x1e: {  	[sflag:s0] =	ssyncset.done $0x0  }
0x1f: {  	s2 =	simm.s32 $0x4;
	[sflag:s0] =	ssyncadd.s32 $0xFFFFE000  }
0x20: {  	_ =	swait.ge [sflag:s2], $0x2000  }
0x21: {  	s6 =	rddreg [dreg:$0x5]  }
0x22: {  	s31 =	rddreg [dreg:$0x4];
	s6 =	sadd.s32 $0x1, s6  }
0x23: {  	p0 =	sne.s32 s6, s31  }
.Ltmp1:
0x24: {  	_ = 	snop;
	(pc) =	sbr.rel @!p0 .LBB2_9-.Ltmp1, $3  }
0x25: {  	_ =	sdelay $0x1  }
0x26: {  	[sflag:s2] =	ssyncset.done $0x0  }
0x27: {  	[sflag:s2] =	ssyncadd.s32 $0xFFFFE000  }
.LBB2_1:
0x28: {  	[dreg:$0x5] =	wrdreg s6  }
0x29: {  	s0 =	rddreg [dreg:$0x3];
	s28 =	simm.s32 $0x5  }
0x2a: {  	[tilespmem:s3], [sflag:$0x5] =	stream.linear.gather [hbm4b:s0+s3], $0x6400, $0x38;
	[tilespmem:$0x16400] =	vst v63  }
0x2b: {  	_ =	swait.ge [sflag:s28], $0x6400  }
0x2c: {  	[sflag:s28] =	ssyncset.done $0x0  }
0x2d: {  	s29 =	simm.s32 $0x6400;
	[sflag:s28] =	ssyncadd.s32 $0xFFFF9C00  }
0x2e: {  	[tilespmem:s29], [sflag:$0x1] =	stream.indirect.gather [hbm4b:s4+s9], $0x80, s3, s9, $0xb8;
	[tilespmem:$0x16400] =	vst v63  }
0x2f: {  	s31 =	simm.s32 $0xA400;
	s10 =	simm.s32 $0x0  }
0x30: {  	[tilespmem:s31], [sflag:$0x2] =	stream.indirect.gather [hbm4b:s4+s9], $0x80, s9, s9, $0xb8;
	[tilespmem:$0x16400] =	vst v63  }
.LBB2_2:
0x31: {  	_ =	swait.ge [sflag:s12], $0x4000  }
0x32: {  	p0 =	seq.s32 s10, $0x0;
	[sflag:s12] =	ssyncset.done $0x0  }
0x33: {  	s0 =	simm.s32 @!p0 $0x3;
	[sflag:s12] =	ssyncadd.s32 $0xFFFFC000  }
0x34: {  	_ =	swait.ge @!p0 [sflag:s0], $0x2000  }
0x35: {  	[sflag:s0] =	ssyncset.done @!p0 $0x0  }
0x36: {  	s28 =	simm.s32 $0x6800;
	s26 =	simm.s32 $0xF;
	[sflag:s0] =	ssyncadd.s32 @!p0 $0xFFFFE000  }
0x37: {  	s2 =	simm.s32 $0x1;
	v5 =	vor.u32 s26, v0;
	v4 =	vld [tilespmem:s28+$0x380]  }
0x38: {  	s7 =	simm.s32 $0x2;
	v7 =	vor.u32 s2, v0;
	v6 =	vld [tilespmem:s28+$0xFFFFFC80]  }
0x39: {  	s8 =	simm.s32 $0x3;
	v9 =	vor.u32 s7, v0;
	v8 =	vld [tilespmem:s28+$0xFFFFFD00]  }
0x3a: {  	s11 =	simm.s32 $0x4;
	v11 =	vor.u32 s8, v0;
	v10 =	vld [tilespmem:s28+$0xFFFFFD80]  }
0x3b: {  	s6 =	simm.s32 $0x5;
	v13 =	vor.u32 s11, v0;
	v12 =	vld [tilespmem:s28+$0xFFFFFE00]  }
0x3c: {  	s14 =	simm.s32 $0x6;
	v15 =	vor.u32 s6, v0;
	v14 =	vld [tilespmem:s28+$0xFFFFFE80];
	[tilespmem:v5+s13+$0x0] =	vst.idx.msk $0xffff, v4  }
0x3d: {  	s15 =	simm.s32 $0x7;
	[tilespmem:v7+s13+$0x0] =	vst.idx.msk $0xffff, v6;
	v6 =	vld [tilespmem:s28+$0xFFFFFF00];
	v7 =	vor.u32 s14, v0  }
0x3e: {  	s16 =	simm.s32 $0x8;
	[tilespmem:v9+s13+$0x0] =	vst.idx.msk $0xffff, v8;
	v8 =	vld [tilespmem:s28+$0xFFFFFF80];
	v9 =	vor.u32 s15, v0  }
0x3f: {  	[tilespmem:v11+s13+$0x0] =	vst.idx.msk $0xffff, v10;
	v10 =	vld [tilespmem:s28+$0x0];
	v11 =	vor.u32 s16, v0  }
0x40: {  	s17 =	simm.s32 $0x9;
	v5 =	vor.u32 s26, v1;
	[tilespmem:v13+s13+$0x0] =	vst.idx.msk $0xffff, v12;
	v4 =	vld [tilespmem:s28+$0x390]  }
0x41: {  	s18 =	simm.s32 $0xA;
	[tilespmem:v15+s13+$0x0] =	vst.idx.msk $0xffff, v14;
	v12 =	vld [tilespmem:s28+$0x80];
	v13 =	vor.u32 s17, v0  }
0x42: {  	s19 =	simm.s32 $0xB;
	v14 =	vld [tilespmem:s28+$0x100];
	v15 =	vor.u32 s18, v0;
	[tilespmem:v7+s13+$0x0] =	vst.idx.msk $0xffff, v6  }
0x43: {  	s20 =	simm.s32 $0xC;
	[tilespmem:v9+s13+$0x0] =	vst.idx.msk $0xffff, v8;
	v6 =	vld [tilespmem:s28+$0x180];
	v7 =	vor.u32 s19, v0  }
0x44: {  	s24 =	simm.s32 $0xD;
	[tilespmem:v11+s13+$0x0] =	vst.idx.msk $0xffff, v10;
	v8 =	vld [tilespmem:s28+$0x200];
	v9 =	vor.u32 s20, v0  }
0x45: {  	v10 =	vld [tilespmem:s28+$0x280];
	v11 =	vor.u32 s24, v0;
	[tilespmem:v5+s13+$0x0] =	vst.idx.msk $0xffff, v4  }
0x46: {  	s25 =	simm.s32 $0xE;
	[tilespmem:v13+s13+$0x0] =	vst.idx.msk $0xffff, v12;
	v5 =	vor.u32 s26, v2;
	v4 =	vld [tilespmem:s28+$0x3A0]  }
0x47: {  	s23 =	simm.s32 $0x0;
	[tilespmem:v15+s13+$0x0] =	vst.idx.msk $0xffff, v14;
	v12 =	vld [tilespmem:s28+$0x300];
	v13 =	vor.u32 s25, v0  }
0x48: {  	v14 =	vld [tilespmem:s28+$0xFFFFFC00];
	v15 =	vor.u32 s23, v0;
	[tilespmem:v7+s13+$0x0] =	vst.idx.msk $0xffff, v6  }
0x49: {  	v6 =	vld [tilespmem:s28+$0xFFFFFC90];
	v7 =	vor.u32 s2, v1;
	[tilespmem:v9+s13+$0x0] =	vst.idx.msk $0xffff, v8  }
0x4a: {  	v8 =	vld [tilespmem:s28+$0xFFFFFD10];
	v9 =	vor.u32 s7, v1;
	[tilespmem:v11+s13+$0x0] =	vst.idx.msk $0xffff, v10  }
0x4b: {  	v10 =	vld [tilespmem:s28+$0xFFFFFD90];
	v11 =	vor.u32 s8, v1;
	[tilespmem:v5+s13+$0x0] =	vst.idx.msk $0xffff, v4  }
0x4c: {  	[tilespmem:v13+s13+$0x0] =	vst.idx.msk $0xffff, v12;
	v5 =	vor.u32 s26, v3;
	v4 =	vld [tilespmem:s28+$0x3B0]  }
0x4d: {  	[tilespmem:v15+s13+$0x0] =	vst.idx.msk $0xffff, v14;
	v12 =	vld [tilespmem:s28+$0xFFFFFE10];
	v13 =	vor.u32 s11, v1  }
0x4e: {  	v14 =	vld [tilespmem:s28+$0xFFFFFE90];
	v15 =	vor.u32 s6, v1;
	[tilespmem:v7+s13+$0x0] =	vst.idx.msk $0xffff, v6  }
0x4f: {  	[tilespmem:v9+s13+$0x0] =	vst.idx.msk $0xffff, v8;
	v6 =	vld [tilespmem:s28+$0xFFFFFF90];
	v7 =	vor.u32 s15, v1  }
0x50: {  	[tilespmem:v11+s13+$0x0] =	vst.idx.msk $0xffff, v10;
	v8 =	vld [tilespmem:s28+$0x10];
	v9 =	vor.u32 s16, v1  }
0x51: {  	[tilespmem:v5+s13+$0x0] =	vst.idx.msk $0xffff, v4;
	v4 =	vld [tilespmem:s28+$0xFFFFFF10];
	v5 =	vor.u32 s14, v1  }
0x52: {  	[tilespmem:v13+s13+$0x0] =	vst.idx.msk $0xffff, v12;
	v10 =	vld [tilespmem:s28+$0x90];
	v11 =	vor.u32 s17, v1  }
0x53: {  	[tilespmem:v15+s13+$0x0] =	vst.idx.msk $0xffff, v14;
	v12 =	vld [tilespmem:s28+$0x110];
	v13 =	vor.u32 s18, v1  }
0x54: {  	v14 =	vld [tilespmem:s28+$0xFFFFFC10];
	v15 =	vor.u32 s23, v1;
	[tilespmem:v7+s13+$0x0] =	vst.idx.msk $0xffff, v6  }
0x55: {  	v6 =	vld [tilespmem:s28+$0x210];
	v7 =	vor.u32 s20, v1;
	[tilespmem:v9+s13+$0x0] =	vst.idx.msk $0xffff, v8  }
0x56: {  	[tilespmem:v5+s13+$0x0] =	vst.idx.msk $0xffff, v4;
	v4 =	vld [tilespmem:s28+$0x190];
	v5 =	vor.u32 s19, v1  }
0x57: {  	v8 =	vld [tilespmem:s28+$0x290];
	v9 =	vor.u32 s24, v1;
	[tilespmem:v11+s13+$0x0] =	vst.idx.msk $0xffff, v10  }
0x58: {  	v10 =	vld [tilespmem:s28+$0x310];
	v11 =	vor.u32 s25, v1;
	[tilespmem:v13+s13+$0x0] =	vst.idx.msk $0xffff, v12  }
0x59: {  	v12 =	vld [tilespmem:s28+$0xFFFFFCA0];
	v13 =	vor.u32 s2, v2;
	[tilespmem:v15+s13+$0x0] =	vst.idx.msk $0xffff, v14  }
0x5a: {  	v15 =	vor.u32 s23, v2;
	v14 =	vld [tilespmem:s28+$0xFFFFFC20];
	[tilespmem:v7+s13+$0x0] =	vst.idx.msk $0xffff, v6  }
0x5b: {  	[tilespmem:v5+s13+$0x0] =	vst.idx.msk $0xffff, v4;
	v4 =	vld [tilespmem:s28+$0xFFFFFD20];
	v5 =	vor.u32 s7, v2  }
0x5c: {  	v6 =	vld [tilespmem:s28+$0xFFFFFDA0];
	v7 =	vor.u32 s8, v2;
	[tilespmem:v9+s13+$0x0] =	vst.idx.msk $0xffff, v8  }
0x5d: {  	[tilespmem:v11+s13+$0x0] =	vst.idx.msk $0xffff, v10;
	v10 =	vld [tilespmem:s28+$0xFFFFFEA0];
	v11 =	vor.u32 s6, v2  }
0x5e: {  	[tilespmem:v13+s13+$0x0] =	vst.idx.msk $0xffff, v12;
	v12 =	vld [tilespmem:s28+$0xFFFFFF20];
	v13 =	vor.u32 s14, v2  }
0x5f: {  	v8 =	vld [tilespmem:s28+$0xFFFFFE20];
	v9 =	vor.u32 s11, v2;
	[tilespmem:v15+s13+$0x0] =	vst.idx.msk $0xffff, v14  }
0x60: {  	[tilespmem:v5+s13+$0x0] =	vst.idx.msk $0xffff, v4;
	v4 =	vld [tilespmem:s28+$0xFFFFFFA0];
	v5 =	vor.u32 s15, v2  }
0x61: {  	[tilespmem:v7+s13+$0x0] =	vst.idx.msk $0xffff, v6;
	v6 =	vld [tilespmem:s28+$0x20];
	v7 =	vor.u32 s16, v2  }
0x62: {  	[tilespmem:v11+s13+$0x0] =	vst.idx.msk $0xffff, v10;
	v10 =	vld [tilespmem:s28+$0x120];
	v11 =	vor.u32 s18, v2  }
0x63: {  	[tilespmem:v13+s13+$0x0] =	vst.idx.msk $0xffff, v12;
	v12 =	vld [tilespmem:s28+$0x1A0];
	v13 =	vor.u32 s19, v2  }
0x64: {  	[tilespmem:v9+s13+$0x0] =	vst.idx.msk $0xffff, v8;
	v8 =	vld [tilespmem:s28+$0xA0];
	v9 =	vor.u32 s17, v2  }
0x65: {  	[tilespmem:v5+s13+$0x0] =	vst.idx.msk $0xffff, v4;
	v4 =	vld [tilespmem:s28+$0x220];
	v5 =	vor.u32 s20, v2  }
0x66: {  	[tilespmem:v7+s13+$0x0] =	vst.idx.msk $0xffff, v6;
	v6 =	vld [tilespmem:s28+$0x2A0];
	v7 =	vor.u32 s24, v2  }
0x67: {  	[tilespmem:v11+s13+$0x0] =	vst.idx.msk $0xffff, v10;
	v10 =	vld [tilespmem:s28+$0xFFFFFCB0];
	v11 =	vor.u32 s2, v3  }
0x68: {  	[tilespmem:v13+s13+$0x0] =	vst.idx.msk $0xffff, v12;
	v12 =	vld [tilespmem:s28+$0xFFFFFD30];
	v13 =	vor.u32 s7, v3  }
0x69: {  	[tilespmem:v9+s13+$0x0] =	vst.idx.msk $0xffff, v8;
	v8 =	vld [tilespmem:s28+$0x320];
	v9 =	vor.u32 s25, v2  }
0x6a: {  	[tilespmem:v5+s13+$0x0] =	vst.idx.msk $0xffff, v4;
	v4 =	vld [tilespmem:s28+$0xFFFFFDB0];
	v5 =	vor.u32 s8, v3  }
0x6b: {  	[tilespmem:v7+s13+$0x0] =	vst.idx.msk $0xffff, v6;
	v6 =	vld [tilespmem:s28+$0xFFFFFE30];
	v7 =	vor.u32 s11, v3  }
0x6c: {  	[tilespmem:v11+s13+$0x0] =	vst.idx.msk $0xffff, v10;
	v10 =	vld [tilespmem:s28+$0xFFFFFF30];
	v11 =	vor.u32 s14, v3  }
0x6d: {  	[tilespmem:v13+s13+$0x0] =	vst.idx.msk $0xffff, v12;
	v12 =	vld [tilespmem:s28+$0xFFFFFFB0];
	v13 =	vor.u32 s15, v3  }
0x6e: {  	v16 =	vor.u32 s18, v3;
	v15 =	vld [tilespmem:s28+$0x130];
	[tilespmem:v9+s13+$0x0] =	vst.idx.msk $0xffff, v8  }
0x6f: {  	[tilespmem:v5+s13+$0x0] =	vst.idx.msk $0xffff, v4;
	v4 =	vld [tilespmem:s28+$0x30];
	v5 =	vor.u32 s16, v3  }
0x70: {  	v8 =	vld [tilespmem:s28+$0xFFFFFEB0];
	v9 =	vor.u32 s6, v3;
	[tilespmem:v7+s13+$0x0] =	vst.idx.msk $0xffff, v6  }
0x71: {  	v14 =	vor.u32 s17, v3;
	v6 =	vld [tilespmem:s28+$0xB0];
	[tilespmem:v11+s13+$0x0] =	vst.idx.msk $0xffff, v10  }
0x72: {  	v11 =	vld [tilespmem:s28+$0x1B0];
	[tilespmem:v13+s13+$0x0] =	vst.idx.msk $0xffff, v12;
	v13 =	vor.u32 s19, v3  }
0x73: {  	[tilespmem:v16+s13+$0x0] =	vst.idx.msk $0xffff, v15;
	v7 =	vld [tilespmem:s28+$0x230];
	v12 =	vor.u32 s20, v3  }
0x74: {  	v10 =	vor.u32 s24, v3;
	[tilespmem:v5+s13+$0x0] =	vst.idx.msk $0xffff, v4;
	v4 =	vld [tilespmem:s28+$0x2B0]  }
0x75: {  	s29 =	simm.s32 $0x1F;
	s31 =	simm.s32 $0x20;
	[tilespmem:v9+s13+$0x0] =	vst.idx.msk $0xffff, v8;
	v8 =	vor.u32 s25, v3;
	v5 =	vld [tilespmem:s28+$0x330]  }
0x76: {  	s7 =	simm.s32 $0x10;
	s6 =	sshll.u32 s10, $0x1;
	s8 =	simm.s32 $0x7000;
	v9 =	vor.u32 s23, v3;
	[tilespmem:v14+s13+$0x0] =	vst.idx.msk $0xffff, v6;
	v6 =	vld [tilespmem:s28+$0xFFFFFC30]  }
.LBB2_3:
0x77: {  	p1 =	slt.u32 s31, $0x70;
	s2 =	sadd.s32 $0x1, s7;
	v14 =	vld [tilespmem:s8+$0x380];
	v15 =	vor.u32 s29, v0;
	[tilespmem:v13+s13+$0x0] =	vst.idx.msk $0xffff, v11;
	s0 =	smov.u32 s7  }
0x78: {  	s7 =	smov.u32 s31;
	v11 =	vld [tilespmem:s8+$0xFFFFFC80];
	v13 =	vor.u32 s2, v0;
	s11 =	sadd.s32 $0x2, s0;
	[tilespmem:v12+s13+$0x0] =	vst.idx.msk $0xffff, v7  }
0x79: {  	s14 =	sadd.s32 $0x3, s0;
	v7 =	vld [tilespmem:s8+$0xFFFFFD00];
	v12 =	vor.u32 s11, v0;
	[tilespmem:v10+s13+$0x0] =	vst.idx.msk $0xffff, v4  }
0x7a: {  	s15 =	sadd.s32 $0x4, s0;
	v10 =	vor.u32 s14, v0;
	v4 =	vld [tilespmem:s8+$0xFFFFFD80];
	[tilespmem:v8+s13+$0x0] =	vst.idx.msk $0xffff, v5  }
0x7b: {  	s16 =	sadd.s32 $0x5, s0;
	v8 =	vor.u32 s15, v0;
	v5 =	vld [tilespmem:s8+$0xFFFFFE00];
	[tilespmem:v9+s13+$0x0] =	vst.idx.msk $0xffff, v6  }
0x7c: {  	v9 =	vor.u32 s16, v0;
	v6 =	vld [tilespmem:s8+$0xFFFFFE80];
	[tilespmem:v15+s13+$0x0] =	vst.idx.msk $0xffff, v14  }
0x7d: {  	s17 =	sadd.s32 $0x6, s0;
	[tilespmem:v13+s13+$0x0] =	vst.idx.msk $0xffff, v11;
	v11 =	vld [tilespmem:s8+$0x390];
	v13 =	vor.u32 s29, v1  }
0x7e: {  	s18 =	sadd.s32 $0x7, s0;
	[tilespmem:v12+s13+$0x0] =	vst.idx.msk $0xffff, v7;
	v7 =	vld [tilespmem:s8+$0xFFFFFF00];
	v12 =	vor.u32 s17, v0  }
0x7f: {  	s19 =	sadd.s32 $0x8, s0;
	[tilespmem:v10+s13+$0x0] =	vst.idx.msk $0xffff, v4;
	v4 =	vld [tilespmem:s8+$0xFFFFFF80];
	v10 =	vor.u32 s18, v0  }
0x80: {  	s20 =	sadd.s32 $0x9, s0;
	[tilespmem:v8+s13+$0x0] =	vst.idx.msk $0xffff, v5;
	v5 =	vld [tilespmem:s8+$0x0];
	v8 =	vor.u32 s19, v0  }
0x81: {  	s23 =	sadd.s32 $0xA, s0;
	[tilespmem:v9+s13+$0x0] =	vst.idx.msk $0xffff, v6;
	v6 =	vld [tilespmem:s8+$0x80];
	v9 =	vor.u32 s20, v0  }
0x82: {  	v15 =	vor.u32 s23, v0;
	v14 =	vld [tilespmem:s8+$0x100];
	[tilespmem:v13+s13+$0x0] =	vst.idx.msk $0xffff, v11  }
0x83: {  	s24 =	sadd.s32 $0xB, s0;
	v11 =	vor.u32 s29, v2;
	[tilespmem:v12+s13+$0x0] =	vst.idx.msk $0xffff, v7;
	v7 =	vld [tilespmem:s8+$0x3A0]  }
0x84: {  	s25 =	sadd.s32 $0xC, s0;
	[tilespmem:v10+s13+$0x0] =	vst.idx.msk $0xffff, v4;
	v4 =	vld [tilespmem:s8+$0x180];
	v10 =	vor.u32 s24, v0  }
0x85: {  	s26 =	sadd.s32 $0xD, s0;
	[tilespmem:v8+s13+$0x0] =	vst.idx.msk $0xffff, v5;
	v5 =	vld [tilespmem:s8+$0x200];
	v8 =	vor.u32 s25, v0  }
0x86: {  	s28 =	sadd.s32 $0xE, s0;
	[tilespmem:v9+s13+$0x0] =	vst.idx.msk $0xffff, v6;
	v6 =	vld [tilespmem:s8+$0x280];
	v9 =	vor.u32 s26, v0  }
0x87: {  	v13 =	vor.u32 s28, v0;
	[tilespmem:v15+s13+$0x0] =	vst.idx.msk $0xffff, v14;
	v12 =	vld [tilespmem:s8+$0x300]  }
0x88: {  	v15 =	vor.u32 s0, v0;
	v14 =	vld [tilespmem:s8+$0xFFFFFC00];
	[tilespmem:v11+s13+$0x0] =	vst.idx.msk $0xffff, v7  }
0x89: {  	v7 =	vor.u32 s29, v3;
	[tilespmem:v10+s13+$0x0] =	vst.idx.msk $0xffff, v4;
	v4 =	vld [tilespmem:s8+$0x3B0]  }
0x8a: {  	v11 =	vor.u32 s2, v1;
	v10 =	vld [tilespmem:s8+$0xFFFFFC90];
	[tilespmem:v8+s13+$0x0] =	vst.idx.msk $0xffff, v5  }
0x8b: {  	v8 =	vor.u32 s11, v1;
	v5 =	vld [tilespmem:s8+$0xFFFFFD10];
	[tilespmem:v9+s13+$0x0] =	vst.idx.msk $0xffff, v6  }
0x8c: {  	v9 =	vor.u32 s14, v1;
	v6 =	vld [tilespmem:s8+$0xFFFFFD90];
	[tilespmem:v13+s13+$0x0] =	vst.idx.msk $0xffff, v12  }
0x8d: {  	v13 =	vor.u32 s15, v1;
	[tilespmem:v15+s13+$0x0] =	vst.idx.msk $0xffff, v14;
	v12 =	vld [tilespmem:s8+$0xFFFFFE10]  }
0x8e: {  	v15 =	vor.u32 s16, v1;
	v14 =	vld [tilespmem:s8+$0xFFFFFE90];
	[tilespmem:v7+s13+$0x0] =	vst.idx.msk $0xffff, v4  }
0x8f: {  	v7 =	vor.u32 s17, v1;
	[tilespmem:v11+s13+$0x0] =	vst.idx.msk $0xffff, v10;
	v4 =	vld [tilespmem:s8+$0xFFFFFF10]  }
0x90: {  	[tilespmem:v8+s13+$0x0] =	vst.idx.msk $0xffff, v5;
	v5 =	vld [tilespmem:s8+$0xFFFFFF90];
	v8 =	vor.u32 s18, v1  }
0x91: {  	[tilespmem:v9+s13+$0x0] =	vst.idx.msk $0xffff, v6;
	v6 =	vld [tilespmem:s8+$0x10];
	v9 =	vor.u32 s19, v1  }
0x92: {  	v11 =	vor.u32 s20, v1;
	[tilespmem:v13+s13+$0x0] =	vst.idx.msk $0xffff, v12;
	v10 =	vld [tilespmem:s8+$0x90]  }
0x93: {  	v13 =	vor.u32 s23, v1;
	[tilespmem:v15+s13+$0x0] =	vst.idx.msk $0xffff, v14;
	v12 =	vld [tilespmem:s8+$0x110]  }
0x94: {  	[tilespmem:v7+s13+$0x0] =	vst.idx.msk $0xffff, v4;
	v4 =	vld [tilespmem:s8+$0x190];
	v7 =	vor.u32 s24, v1  }
0x95: {  	[tilespmem:v8+s13+$0x0] =	vst.idx.msk $0xffff, v5;
	v5 =	vld [tilespmem:s8+$0x210];
	v8 =	vor.u32 s25, v1  }
0x96: {  	[tilespmem:v9+s13+$0x0] =	vst.idx.msk $0xffff, v6;
	v6 =	vld [tilespmem:s8+$0x290];
	v9 =	vor.u32 s26, v1  }
0x97: {  	[tilespmem:v11+s13+$0x0] =	vst.idx.msk $0xffff, v10;
	v10 =	vld [tilespmem:s8+$0x310];
	v11 =	vor.u32 s28, v1  }
0x98: {  	v15 =	vor.u32 s0, v1;
	v14 =	vld [tilespmem:s8+$0xFFFFFC10];
	[tilespmem:v13+s13+$0x0] =	vst.idx.msk $0xffff, v12  }
0x99: {  	v13 =	vor.u32 s2, v2;
	v12 =	vld [tilespmem:s8+$0xFFFFFCA0];
	[tilespmem:v7+s13+$0x0] =	vst.idx.msk $0xffff, v4  }
0x9a: {  	v7 =	vor.u32 s11, v2;
	v4 =	vld [tilespmem:s8+$0xFFFFFD20];
	[tilespmem:v8+s13+$0x0] =	vst.idx.msk $0xffff, v5  }
0x9b: {  	v8 =	vor.u32 s14, v2;
	v5 =	vld [tilespmem:s8+$0xFFFFFDA0];
	[tilespmem:v9+s13+$0x0] =	vst.idx.msk $0xffff, v6  }
0x9c: {  	v9 =	vor.u32 s15, v2;
	v6 =	vld [tilespmem:s8+$0xFFFFFE20];
	[tilespmem:v11+s13+$0x0] =	vst.idx.msk $0xffff, v10  }
0x9d: {  	v11 =	vor.u32 s16, v2;
	[tilespmem:v15+s13+$0x0] =	vst.idx.msk $0xffff, v14;
	v10 =	vld [tilespmem:s8+$0xFFFFFEA0]  }
0x9e: {  	[tilespmem:v13+s13+$0x0] =	vst.idx.msk $0xffff, v12;
	v12 =	vld [tilespmem:s8+$0xFFFFFF20];
	v13 =	vor.u32 s17, v2  }
0x9f: {  	[tilespmem:v7+s13+$0x0] =	vst.idx.msk $0xffff, v4;
	v4 =	vld [tilespmem:s8+$0xFFFFFFA0];
	v7 =	vor.u32 s18, v2  }
0xa0: {  	[tilespmem:v8+s13+$0x0] =	vst.idx.msk $0xffff, v5;
	v5 =	vld [tilespmem:s8+$0x20];
	v8 =	vor.u32 s19, v2  }
0xa1: {  	[tilespmem:v9+s13+$0x0] =	vst.idx.msk $0xffff, v6;
	v6 =	vld [tilespmem:s8+$0xA0];
	v9 =	vor.u32 s20, v2  }
0xa2: {  	[tilespmem:v11+s13+$0x0] =	vst.idx.msk $0xffff, v10;
	v10 =	vld [tilespmem:s8+$0x120];
	v11 =	vor.u32 s23, v2  }
0xa3: {  	[tilespmem:v13+s13+$0x0] =	vst.idx.msk $0xffff, v12;
	v12 =	vld [tilespmem:s8+$0x1A0];
	v13 =	vor.u32 s24, v2  }
0xa4: {  	[tilespmem:v7+s13+$0x0] =	vst.idx.msk $0xffff, v4;
	v4 =	vld [tilespmem:s8+$0x220];
	v7 =	vor.u32 s25, v2  }
0xa5: {  	[tilespmem:v8+s13+$0x0] =	vst.idx.msk $0xffff, v5;
	v5 =	vld [tilespmem:s8+$0x2A0];
	v8 =	vor.u32 s26, v2  }
0xa6: {  	[tilespmem:v9+s13+$0x0] =	vst.idx.msk $0xffff, v6;
	v6 =	vld [tilespmem:s8+$0x320];
	v9 =	vor.u32 s28, v2  }
0xa7: {  	v15 =	vor.u32 s0, v2;
	v14 =	vld [tilespmem:s8+$0xFFFFFC20];
	[tilespmem:v11+s13+$0x0] =	vst.idx.msk $0xffff, v10  }
0xa8: {  	v11 =	vor.u32 s2, v3;
	v10 =	vld [tilespmem:s8+$0xFFFFFCB0];
	[tilespmem:v13+s13+$0x0] =	vst.idx.msk $0xffff, v12  }
0xa9: {  	v13 =	vor.u32 s11, v3;
	v12 =	vld [tilespmem:s8+$0xFFFFFD30];
	[tilespmem:v7+s13+$0x0] =	vst.idx.msk $0xffff, v4  }
0xaa: {  	v7 =	vor.u32 s14, v3;
	v4 =	vld [tilespmem:s8+$0xFFFFFDB0];
	[tilespmem:v8+s13+$0x0] =	vst.idx.msk $0xffff, v5  }
0xab: {  	v8 =	vor.u32 s15, v3;
	v5 =	vld [tilespmem:s8+$0xFFFFFE30];
	[tilespmem:v9+s13+$0x0] =	vst.idx.msk $0xffff, v6  }
0xac: {  	v9 =	vor.u32 s16, v3;
	[tilespmem:v15+s13+$0x0] =	vst.idx.msk $0xffff, v14;
	v6 =	vld [tilespmem:s8+$0xFFFFFEB0]  }
0xad: {  	[tilespmem:v11+s13+$0x0] =	vst.idx.msk $0xffff, v10;
	v10 =	vld [tilespmem:s8+$0xFFFFFF30];
	v11 =	vor.u32 s17, v3  }
0xae: {  	v14 =	vor.u32 s18, v3;
	[tilespmem:v13+s13+$0x0] =	vst.idx.msk $0xffff, v12;
	v12 =	vld [tilespmem:s8+$0xFFFFFFB0]  }
0xaf: {  	v15 =	vor.u32 s19, v3;
	[tilespmem:v7+s13+$0x0] =	vst.idx.msk $0xffff, v4;
	v4 =	vld [tilespmem:s8+$0x30]  }
0xb0: {  	[tilespmem:v8+s13+$0x0] =	vst.idx.msk $0xffff, v5;
	v5 =	vld [tilespmem:s8+$0xB0];
	v8 =	vor.u32 s20, v3  }
0xb1: {  	v17 =	vor.u32 s23, v3;
	[tilespmem:v9+s13+$0x0] =	vst.idx.msk $0xffff, v6;
	v16 =	vld [tilespmem:s8+$0x130]  }
.Ltmp2:
0xb2: {  	v13 =	vor.u32 s24, v3;
	[tilespmem:v11+s13+$0x0] =	vst.idx.msk $0xffff, v10;
	v11 =	vld [tilespmem:s8+$0x1B0];
	(pc) =	sbr.rel @p1 .LBB2_3-.Ltmp2, $4  }
0xb3: {  	[tilespmem:v14+s13+$0x0] =	vst.idx.msk $0xffff, v12;
	v7 =	vld [tilespmem:s8+$0x230];
	v12 =	vor.u32 s25, v3  }
0xb4: {  	v10 =	vor.u32 s26, v3;
	[tilespmem:v15+s13+$0x0] =	vst.idx.msk $0xffff, v4;
	v4 =	vld [tilespmem:s8+$0x2B0]  }
0xb5: {  	[tilespmem:v8+s13+$0x0] =	vst.idx.msk $0xffff, v5;
	v5 =	vld [tilespmem:s8+$0x330];
	v8 =	vor.u32 s28, v3  }
0xb6: {  	s31 =	sadd.s32 $0x10, s31;
	s29 =	sadd.s32 $0xF, s7;
	v9 =	vor.u32 s0, v3;
	v6 =	vld [tilespmem:s8+$0xFFFFFC30];
	[tilespmem:v17+s13+$0x0] =	vst.idx.msk $0xffff, v16;
	s8 =	sadd.s32 $0x800, s8  }
0xb7: {  	_ =	sdelay $0x3  }
0xb8: {  	s0 =	sadd.s32 $0x1, s7;
	v14 =	vld [tilespmem:s8+$0x380];
	v15 =	vor.u32 s29, v0;
	[tilespmem:v13+s13+$0x0] =	vst.idx.msk $0xffff, v11  }
0xb9: {  	v11 =	vld [tilespmem:s8+$0xFFFFFC80];
	s2 =	sadd.s32 $0x2, s7;
	v13 =	vor.u32 s0, v0;
	[tilespmem:v12+s13+$0x0] =	vst.idx.msk $0xffff, v7  }
0xba: {  	s11 =	sadd.s32 $0x3, s7;
	v7 =	vld [tilespmem:s8+$0xFFFFFD00];
	v12 =	vor.u32 s2, v0;
	[tilespmem:v10+s13+$0x0] =	vst.idx.msk $0xffff, v4  }
0xbb: {  	s14 =	sadd.s32 $0x4, s7;
	v4 =	vld [tilespmem:s8+$0xFFFFFD80];
	v10 =	vor.u32 s11, v0;
	[tilespmem:v8+s13+$0x0] =	vst.idx.msk $0xffff, v5  }
0xbc: {  	s15 =	sadd.s32 $0x5, s7;
	v5 =	vld [tilespmem:s8+$0xFFFFFE00];
	v8 =	vor.u32 s14, v0;
	[tilespmem:v9+s13+$0x0] =	vst.idx.msk $0xffff, v6  }
0xbd: {  	s20 =	sadd.s32 $0xA, s7;
	v6 =	vld [tilespmem:s8+$0xFFFFFE80];
	v9 =	vor.u32 s15, v0;
	[tilespmem:v15+s13+$0x0] =	vst.idx.msk $0xffff, v14  }
0xbe: {  	v14 =	vld [tilespmem:s8+$0x100];
	v15 =	vor.u32 s20, v0;
	[tilespmem:v13+s13+$0x0] =	vst.idx.msk $0xffff, v11  }
0xbf: {  	s16 =	sadd.s32 $0x6, s7;
	v11 =	vld [tilespmem:s8+$0x390];
	v13 =	vor.u32 s29, v1;
	[tilespmem:v12+s13+$0x0] =	vst.idx.msk $0xffff, v7  }
0xc0: {  	s17 =	sadd.s32 $0x7, s7;
	v7 =	vld [tilespmem:s8+$0xFFFFFF00];
	v12 =	vor.u32 s16, v0;
	[tilespmem:v10+s13+$0x0] =	vst.idx.msk $0xffff, v4  }
0xc1: {  	s18 =	sadd.s32 $0x8, s7;
	v4 =	vld [tilespmem:s8+$0xFFFFFF80];
	v10 =	vor.u32 s17, v0;
	[tilespmem:v8+s13+$0x0] =	vst.idx.msk $0xffff, v5  }
0xc2: {  	s19 =	sadd.s32 $0x9, s7;
	v5 =	vld [tilespmem:s8+$0x0];
	v8 =	vor.u32 s18, v0;
	[tilespmem:v9+s13+$0x0] =	vst.idx.msk $0xffff, v6  }
0xc3: {  	v6 =	vld [tilespmem:s8+$0x80];
	v9 =	vor.u32 s19, v0;
	[tilespmem:v15+s13+$0x0] =	vst.idx.msk $0xffff, v14  }
0xc4: {  	s26 =	sadd.s32 $0xE, s7;
	v14 =	vld [tilespmem:s8+$0xFFFFFC00];
	v15 =	vor.u32 s7, v0;
	[tilespmem:v13+s13+$0x0] =	vst.idx.msk $0xffff, v11  }
0xc5: {  	[tilespmem:v12+s13+$0x0] =	vst.idx.msk $0xffff, v7;
	v12 =	vld [tilespmem:s8+$0x300];
	v13 =	vor.u32 s26, v0  }
0xc6: {  	s23 =	sadd.s32 $0xB, s7;
	v11 =	vor.u32 s29, v2;
	v7 =	vld [tilespmem:s8+$0x3A0];
	[tilespmem:v10+s13+$0x0] =	vst.idx.msk $0xffff, v4  }
0xc7: {  	s24 =	sadd.s32 $0xC, s7;
	v4 =	vld [tilespmem:s8+$0x180];
	v10 =	vor.u32 s23, v0;
	[tilespmem:v8+s13+$0x0] =	vst.idx.msk $0xffff, v5  }
0xc8: {  	s25 =	sadd.s32 $0xD, s7;
	v5 =	vld [tilespmem:s8+$0x200];
	v8 =	vor.u32 s24, v0;
	[tilespmem:v9+s13+$0x0] =	vst.idx.msk $0xffff, v6  }
0xc9: {  	v6 =	vld [tilespmem:s8+$0x280];
	v9 =	vor.u32 s25, v0;
	[tilespmem:v15+s13+$0x0] =	vst.idx.msk $0xffff, v14  }
0xca: {  	v14 =	vld [tilespmem:s8+$0xFFFFFE90];
	v15 =	vor.u32 s15, v1;
	[tilespmem:v13+s13+$0x0] =	vst.idx.msk $0xffff, v12  }
0xcb: {  	v12 =	vld [tilespmem:s8+$0xFFFFFE10];
	v13 =	vor.u32 s14, v1;
	[tilespmem:v11+s13+$0x0] =	vst.idx.msk $0xffff, v7  }
0xcc: {  	[tilespmem:v10+s13+$0x0] =	vst.idx.msk $0xffff, v4;
	v10 =	vld [tilespmem:s8+$0xFFFFFC90];
	v11 =	vor.u32 s0, v1  }
0xcd: {  	v7 =	vor.u32 s29, v3;
	v4 =	vld [tilespmem:s8+$0x3B0];
	[tilespmem:v8+s13+$0x0] =	vst.idx.msk $0xffff, v5  }
0xce: {  	v5 =	vld [tilespmem:s8+$0xFFFFFD10];
	v8 =	vor.u32 s2, v1;
	[tilespmem:v9+s13+$0x0] =	vst.idx.msk $0xffff, v6  }
0xcf: {  	v6 =	vld [tilespmem:s8+$0xFFFFFD90];
	v9 =	vor.u32 s11, v1;
	[tilespmem:v15+s13+$0x0] =	vst.idx.msk $0xffff, v14  }
0xd0: {  	v14 =	vld [tilespmem:s8+$0xFFFFFC10];
	v15 =	vor.u32 s7, v1;
	[tilespmem:v13+s13+$0x0] =	vst.idx.msk $0xffff, v12  }
0xd1: {  	v12 =	vld [tilespmem:s8+$0x110];
	v13 =	vor.u32 s20, v1;
	[tilespmem:v11+s13+$0x0] =	vst.idx.msk $0xffff, v10  }
0xd2: {  	v10 =	vld [tilespmem:s8+$0x90];
	v11 =	vor.u32 s19, v1;
	[tilespmem:v7+s13+$0x0] =	vst.idx.msk $0xffff, v4  }
0xd3: {  	v4 =	vld [tilespmem:s8+$0xFFFFFF10];
	v7 =	vor.u32 s16, v1;
	[tilespmem:v8+s13+$0x0] =	vst.idx.msk $0xffff, v5  }
0xd4: {  	v5 =	vld [tilespmem:s8+$0xFFFFFF90];
	v8 =	vor.u32 s17, v1;
	[tilespmem:v9+s13+$0x0] =	vst.idx.msk $0xffff, v6  }
0xd5: {  	v6 =	vld [tilespmem:s8+$0x10];
	v9 =	vor.u32 s18, v1;
	[tilespmem:v15+s13+$0x0] =	vst.idx.msk $0xffff, v14  }
0xd6: {  	[tilespmem:v13+s13+$0x0] =	vst.idx.msk $0xffff, v12;
	v12 =	vld [tilespmem:s8+$0xFFFFFCA0];
	v13 =	vor.u32 s0, v2  }
0xd7: {  	v15 =	vor.u32 s7, v2;
	v14 =	vld [tilespmem:s8+$0xFFFFFC20];
	[tilespmem:v11+s13+$0x0] =	vst.idx.msk $0xffff, v10  }
0xd8: {  	[tilespmem:v7+s13+$0x0] =	vst.idx.msk $0xffff, v4;
	v4 =	vld [tilespmem:s8+$0x190];
	v7 =	vor.u32 s23, v1  }
0xd9: {  	[tilespmem:v8+s13+$0x0] =	vst.idx.msk $0xffff, v5;
	v5 =	vld [tilespmem:s8+$0x210];
	v8 =	vor.u32 s24, v1  }
0xda: {  	v10 =	vld [tilespmem:s8+$0x310];
	v11 =	vor.u32 s26, v1;
	[tilespmem:v9+s13+$0x0] =	vst.idx.msk $0xffff, v6  }
0xdb: {  	v6 =	vld [tilespmem:s8+$0x290];
	v9 =	vor.u32 s25, v1;
	[tilespmem:v13+s13+$0x0] =	vst.idx.msk $0xffff, v12  }
0xdc: {  	v12 =	vld [tilespmem:s8+$0xFFFFFF20];
	v13 =	vor.u32 s16, v2;
	[tilespmem:v15+s13+$0x0] =	vst.idx.msk $0xffff, v14  }
0xdd: {  	[tilespmem:v7+s13+$0x0] =	vst.idx.msk $0xffff, v4;
	v4 =	vld [tilespmem:s8+$0xFFFFFD20];
	v7 =	vor.u32 s2, v2  }
0xde: {  	[tilespmem:v8+s13+$0x0] =	vst.idx.msk $0xffff, v5;
	v5 =	vld [tilespmem:s8+$0xFFFFFDA0];
	v8 =	vor.u32 s11, v2  }
0xdf: {  	[tilespmem:v11+s13+$0x0] =	vst.idx.msk $0xffff, v10;
	v10 =	vld [tilespmem:s8+$0xFFFFFEA0];
	v11 =	vor.u32 s15, v2  }
0xe0: {  	v15 =	vor.u32 s7, v3;
	v14 =	vld [tilespmem:s8+$0xFFFFFC30];
	[tilespmem:v9+s13+$0x0] =	vst.idx.msk $0xffff, v6  }
0xe1: {  	v6 =	vld [tilespmem:s8+$0xFFFFFE20];
	v9 =	vor.u32 s14, v2;
	[tilespmem:v13+s13+$0x0] =	vst.idx.msk $0xffff, v12  }
0xe2: {  	[tilespmem:v7+s13+$0x0] =	vst.idx.msk $0xffff, v4;
	v4 =	vld [tilespmem:s8+$0xFFFFFFA0];
	v7 =	vor.u32 s17, v2  }
0xe3: {  	[tilespmem:v8+s13+$0x0] =	vst.idx.msk $0xffff, v5;
	v5 =	vld [tilespmem:s8+$0x20];
	v8 =	vor.u32 s18, v2  }
0xe4: {  	v12 =	vld [tilespmem:s8+$0x1A0];
	v13 =	vor.u32 s23, v2;
	[tilespmem:v11+s13+$0x0] =	vst.idx.msk $0xffff, v10  }
0xe5: {  	v10 =	vld [tilespmem:s8+$0x120];
	v11 =	vor.u32 s20, v2;
	[tilespmem:v15+s13+$0x0] =	vst.idx.msk $0xffff, v14  }
0xe6: {  	[tilespmem:v9+s13+$0x0] =	vst.idx.msk $0xffff, v6;
	v6 =	vld [tilespmem:s8+$0xA0];
	v9 =	vor.u32 s19, v2  }
0xe7: {  	[tilespmem:v7+s13+$0x0] =	vst.idx.msk $0xffff, v4;
	v4 =	vld [tilespmem:s8+$0x220];
	v7 =	vor.u32 s24, v2  }
0xe8: {  	[tilespmem:v8+s13+$0x0] =	vst.idx.msk $0xffff, v5;
	v5 =	vld [tilespmem:s8+$0x2A0];
	v8 =	vor.u32 s25, v2  }
0xe9: {  	[tilespmem:v13+s13+$0x0] =	vst.idx.msk $0xffff, v12;
	v12 =	vld [tilespmem:s8+$0xFFFFFD30];
	v13 =	vor.u32 s2, v3  }
0xea: {  	[tilespmem:v11+s13+$0x0] =	vst.idx.msk $0xffff, v10;
	v10 =	vld [tilespmem:s8+$0xFFFFFCB0];
	v11 =	vor.u32 s0, v3  }
0xeb: {  	[tilespmem:v9+s13+$0x0] =	vst.idx.msk $0xffff, v6;
	v6 =	vld [tilespmem:s8+$0x320];
	v9 =	vor.u32 s26, v2  }
0xec: {  	[tilespmem:v7+s13+$0x0] =	vst.idx.msk $0xffff, v4;
	v4 =	vld [tilespmem:s8+$0xFFFFFDB0];
	v7 =	vor.u32 s11, v3  }
0xed: {  	[tilespmem:v8+s13+$0x0] =	vst.idx.msk $0xffff, v5;
	v5 =	vld [tilespmem:s8+$0xFFFFFE30];
	v8 =	vor.u32 s14, v3  }
0xee: {  	[tilespmem:v13+s13+$0x0] =	vst.idx.msk $0xffff, v12;
	v12 =	vld [tilespmem:s8+$0xFFFFFFB0];
	v13 =	vor.u32 s17, v3  }
0xef: {  	[tilespmem:v11+s13+$0x0] =	vst.idx.msk $0xffff, v10;
	v10 =	vld [tilespmem:s8+$0xFFFFFF30];
	v11 =	vor.u32 s16, v3  }
0xf0: {  	[tilespmem:v9+s13+$0x0] =	vst.idx.msk $0xffff, v6;
	v6 =	vld [tilespmem:s8+$0xFFFFFEB0];
	v9 =	vor.u32 s15, v3  }
0xf1: {  	[tilespmem:v7+s13+$0x0] =	vst.idx.msk $0xffff, v4;
	v4 =	vld [tilespmem:s8+$0x30];
	v7 =	vor.u32 s18, v3  }
0xf2: {  	[tilespmem:v8+s13+$0x0] =	vst.idx.msk $0xffff, v5;
	v5 =	vld [tilespmem:s8+$0xB0];
	v8 =	vor.u32 s19, v3  }
0xf3: {  	[tilespmem:v13+s13+$0x0] =	vst.idx.msk $0xffff, v12;
	v12 =	vld [tilespmem:s8+$0x230];
	v13 =	vor.u32 s24, v3  }
0xf4: {  	[tilespmem:v11+s13+$0x0] =	vst.idx.msk $0xffff, v10;
	v10 =	vld [tilespmem:s8+$0x1B0];
	v11 =	vor.u32 s23, v3  }
0xf5: {  	[tilespmem:v9+s13+$0x0] =	vst.idx.msk $0xffff, v6;
	v6 =	vld [tilespmem:s8+$0x130];
	v9 =	vor.u32 s20, v3  }
0xf6: {  	[tilespmem:v7+s13+$0x0] =	vst.idx.msk $0xffff, v4;
	v4 =	vld [tilespmem:s8+$0x2B0];
	v7 =	vor.u32 s25, v3  }
0xf7: {  	[tilespmem:v8+s13+$0x0] =	vst.idx.msk $0xffff, v5;
	v5 =	vld [tilespmem:s8+$0x330];
	v8 =	vor.u32 s26, v3  }
0xf8: {  	[tilespmem:v13+s13+$0x0] =	vst.idx.msk $0xffff, v12;
	s8 =	sadd.s32 s5, s6  }
0xf9: {  	[tilespmem:v11+s13+$0x0] =	vst.idx.msk $0xffff, v10;
	s11 =	sshll.u32 s8, $0x7  }
0xfa: {  	[tilespmem:v9+s13+$0x0] =	vst.idx.msk $0xffff, v6;
	s0 =	sshll.u32 s8, $0xA;
	s2 =	sand.u32 $0x3F00, s11  }
0xfb: {  	s0 =	sand.u32 $0xFFE0000, s0;
	s2 =	sadd.s32 s1, s2;
	[tilespmem:v7+s13+$0x0] =	vst.idx.msk $0xffff, v4  }
0xfc: {  	s0 =	sadd.s32 s0, s2;
	[tilespmem:v8+s13+$0x0] =	vst.idx.msk $0xffff, v5  }
0xfd: {  	[hbm4b:s0+s3] =	stream.linear.scatter [tilespmem:s13], [sflag:$0x3], $0x400, $0x38;
	[tilespmem:$0x16400] =	vst v63  }
0xfe: {  	s14 =	simm.s32 $0xEC00;
	s2 =	sadd.s32 $0x4000, s0  }
0xff: {  	[hbm4b:s2+s3] =	stream.linear.scatter [tilespmem:s14], [sflag:$0x3], $0x400, $0x38;
	[tilespmem:$0x16400] =	vst v63  }
0x100: {  	s16 =	simm.s32 $0xF400;
	s15 =	sadd.s32 $0x8000, s0  }
0x101: {  	[hbm4b:s15+s3] =	stream.linear.scatter [tilespmem:s16], [sflag:$0x3], $0x400, $0x38;
	[tilespmem:$0x16400] =	vst v63  }
0x102: {  	s18 =	simm.s32 $0xFC00;
	s17 =	sadd.s32 $0xC000, s0  }
0x103: {  	[hbm4b:s17+s3] =	stream.linear.scatter [tilespmem:s18], [sflag:$0x3], $0x400, $0x38;
	[tilespmem:$0x16400] =	vst v63  }
0x104: {  	s20 =	simm.s32 $0x10400;
	s19 =	sadd.s32 $0x10000, s0  }
0x105: {  	[hbm4b:s19+s3] =	stream.linear.scatter [tilespmem:s20], [sflag:$0x3], $0x400, $0x38;
	[tilespmem:$0x16400] =	vst v63  }
0x106: {  	s24 =	simm.s32 $0x10C00;
	s23 =	sadd.s32 $0x14000, s0  }
0x107: {  	[hbm4b:s23+s3] =	stream.linear.scatter [tilespmem:s24], [sflag:$0x3], $0x400, $0x38;
	[tilespmem:$0x16400] =	vst v63  }
0x108: {  	s26 =	simm.s32 $0x11400;
	s25 =	sadd.s32 $0x18000, s0  }
0x109: {  	[hbm4b:s25+s3] =	stream.linear.scatter [tilespmem:s26], [sflag:$0x3], $0x400, $0x38;
	[tilespmem:$0x16400] =	vst v63  }
0x10a: {  	s28 =	simm.s32 $0x11C00;
	p1 =	seq.s32 s10, $0x63;
	s0 =	sadd.s32 $0x1C000, s0  }
0x10b: {  	[hbm4b:s0+s3] =	stream.linear.scatter [tilespmem:s28], [sflag:$0x3], $0x400, $0x38;
	[tilespmem:$0x16400] =	vst v63  }
0x10c: {  	s0 =	sshll.u32 @!p1 s10, $0x8  }
0x10d: {  	s0 =	sand.u32 @!p1 $0x3FFFFF00, s0  }
0x10e: {  	s7 =	simm.s32 @!p1 $0x6400;
	s2 =	simm.s32 @!p1 $0x80;
	s0 =	sadd.s32 @!p1 $0x100, s0  }
0x10f: {  	[tilespmem:s7], [sflag:$0x1] =	stream.indirect.gather @!p1 [hbm4b:s4+s2], $0x80, s0, s2, $0xb8;
	[tilespmem:$0x16400] =	vst v63  }
0x110: {  	_ =	swait.ge [sflag:s21], $0x4000  }
0x111: {  	[sflag:s21] =	ssyncset.done $0x0  }
0x112: {  	s0 =	simm.s32 @!p0 $0x4;
	[sflag:s21] =	ssyncadd.s32 $0xFFFFC000  }
0x113: {  	_ =	swait.ge @!p0 [sflag:s0], $0x2000  }
0x114: {  	[sflag:s0] =	ssyncset.done @!p0 $0x0  }
0x115: {  	s28 =	simm.s32 $0xF;
	[sflag:s0] =	ssyncadd.s32 @!p0 $0xFFFFE000;
	s0 =	simm.s32 $0xA800  }
0x116: {  	v5 =	vor.u32 s28, v0;
	s2 =	simm.s32 $0x1;
	v4 =	vld [tilespmem:s0+$0x380]  }
0x117: {  	s7 =	simm.s32 $0x2;
	v7 =	vor.u32 s2, v0;
	v6 =	vld [tilespmem:s0+$0xFFFFFC80]  }
0x118: {  	s8 =	simm.s32 $0x3;
	v9 =	vor.u32 s7, v0;
	v8 =	vld [tilespmem:s0+$0xFFFFFD00]  }
0x119: {  	v11 =	vor.u32 s8, v0;
	s11 =	simm.s32 $0x4;
	v10 =	vld [tilespmem:s0+$0xFFFFFD80]  }
0x11a: {  	v13 =	vor.u32 s11, v0;
	s14 =	simm.s32 $0x5;
	v12 =	vld [tilespmem:s0+$0xFFFFFE00]  }
0x11b: {  	v15 =	vor.u32 s14, v0;
	s15 =	simm.s32 $0x6;
	v14 =	vld [tilespmem:s0+$0xFFFFFE80];
	[tilespmem:v5+s22+$0x0] =	vst.idx.msk $0xffff, v4  }
0x11c: {  	s16 =	simm.s32 $0x7;
	[tilespmem:v7+s22+$0x0] =	vst.idx.msk $0xffff, v6;
	v6 =	vld [tilespmem:s0+$0xFFFFFF00];
	v7 =	vor.u32 s15, v0  }
0x11d: {  	s17 =	simm.s32 $0x8;
	[tilespmem:v9+s22+$0x0] =	vst.idx.msk $0xffff, v8;
	v8 =	vld [tilespmem:s0+$0xFFFFFF80];
	v9 =	vor.u32 s16, v0  }
0x11e: {  	[tilespmem:v11+s22+$0x0] =	vst.idx.msk $0xffff, v10;
	v10 =	vld [tilespmem:s0+$0x0];
	v11 =	vor.u32 s17, v0  }
0x11f: {  	s19 =	simm.s32 $0x9;
	v5 =	vor.u32 s28, v1;
	[tilespmem:v13+s22+$0x0] =	vst.idx.msk $0xffff, v12;
	v4 =	vld [tilespmem:s0+$0x390]  }
0x120: {  	s23 =	simm.s32 $0xA;
	[tilespmem:v15+s22+$0x0] =	vst.idx.msk $0xffff, v14;
	v12 =	vld [tilespmem:s0+$0x80];
	v13 =	vor.u32 s19, v0  }
0x121: {  	s18 =	simm.s32 $0xB;
	v14 =	vld [tilespmem:s0+$0x100];
	v15 =	vor.u32 s23, v0;
	[tilespmem:v7+s22+$0x0] =	vst.idx.msk $0xffff, v6  }
0x122: {  	s24 =	simm.s32 $0xC;
	[tilespmem:v9+s22+$0x0] =	vst.idx.msk $0xffff, v8;
	v6 =	vld [tilespmem:s0+$0x180];
	v7 =	vor.u32 s18, v0  }
0x123: {  	s25 =	simm.s32 $0xD;
	[tilespmem:v11+s22+$0x0] =	vst.idx.msk $0xffff, v10;
	v8 =	vld [tilespmem:s0+$0x200];
	v9 =	vor.u32 s24, v0  }
0x124: {  	v10 =	vld [tilespmem:s0+$0x280];
	v11 =	vor.u32 s25, v0;
	[tilespmem:v5+s22+$0x0] =	vst.idx.msk $0xffff, v4  }
0x125: {  	s26 =	simm.s32 $0xE;
	[tilespmem:v13+s22+$0x0] =	vst.idx.msk $0xffff, v12;
	v5 =	vor.u32 s28, v2;
	v4 =	vld [tilespmem:s0+$0x3A0]  }
0x126: {  	s20 =	simm.s32 $0x0;
	[tilespmem:v15+s22+$0x0] =	vst.idx.msk $0xffff, v14;
	v12 =	vld [tilespmem:s0+$0x300];
	v13 =	vor.u32 s26, v0  }
0x127: {  	v14 =	vld [tilespmem:s0+$0xFFFFFC00];
	v15 =	vor.u32 s20, v0;
	[tilespmem:v7+s22+$0x0] =	vst.idx.msk $0xffff, v6  }
0x128: {  	v6 =	vld [tilespmem:s0+$0xFFFFFC90];
	v7 =	vor.u32 s2, v1;
	[tilespmem:v9+s22+$0x0] =	vst.idx.msk $0xffff, v8  }
0x129: {  	v8 =	vld [tilespmem:s0+$0xFFFFFD10];
	v9 =	vor.u32 s7, v1;
	[tilespmem:v11+s22+$0x0] =	vst.idx.msk $0xffff, v10  }
0x12a: {  	v10 =	vld [tilespmem:s0+$0xFFFFFD90];
	v11 =	vor.u32 s8, v1;
	[tilespmem:v5+s22+$0x0] =	vst.idx.msk $0xffff, v4  }
0x12b: {  	[tilespmem:v13+s22+$0x0] =	vst.idx.msk $0xffff, v12;
	v4 =	vor.u32 s28, v3;
	v5 =	vld [tilespmem:s0+$0x3B0]  }
0x12c: {  	[tilespmem:v15+s22+$0x0] =	vst.idx.msk $0xffff, v14;
	v12 =	vld [tilespmem:s0+$0xFFFFFE10];
	v13 =	vor.u32 s11, v1  }
0x12d: {  	v14 =	vld [tilespmem:s0+$0xFFFFFE90];
	v15 =	vor.u32 s14, v1;
	[tilespmem:v7+s22+$0x0] =	vst.idx.msk $0xffff, v6  }
0x12e: {  	[tilespmem:v9+s22+$0x0] =	vst.idx.msk $0xffff, v8;
	v6 =	vld [tilespmem:s0+$0xFFFFFF90];
	v7 =	vor.u32 s16, v1  }
0x12f: {  	[tilespmem:v11+s22+$0x0] =	vst.idx.msk $0xffff, v10;
	v8 =	vld [tilespmem:s0+$0x10];
	v9 =	vor.u32 s17, v1  }
0x130: {  	[tilespmem:v4+s22+$0x0] =	vst.idx.msk $0xffff, v5;
	v4 =	vld [tilespmem:s0+$0xFFFFFF10];
	v5 =	vor.u32 s15, v1  }
0x131: {  	[tilespmem:v13+s22+$0x0] =	vst.idx.msk $0xffff, v12;
	v10 =	vld [tilespmem:s0+$0x90];
	v11 =	vor.u32 s19, v1  }
0x132: {  	[tilespmem:v15+s22+$0x0] =	vst.idx.msk $0xffff, v14;
	v12 =	vld [tilespmem:s0+$0x110];
	v13 =	vor.u32 s23, v1  }
0x133: {  	v14 =	vld [tilespmem:s0+$0xFFFFFC10];
	v15 =	vor.u32 s20, v1;
	[tilespmem:v7+s22+$0x0] =	vst.idx.msk $0xffff, v6  }
0x134: {  	v6 =	vld [tilespmem:s0+$0x210];
	v7 =	vor.u32 s24, v1;
	[tilespmem:v9+s22+$0x0] =	vst.idx.msk $0xffff, v8  }
0x135: {  	[tilespmem:v5+s22+$0x0] =	vst.idx.msk $0xffff, v4;
	v4 =	vld [tilespmem:s0+$0x190];
	v5 =	vor.u32 s18, v1  }
0x136: {  	v8 =	vld [tilespmem:s0+$0x290];
	v9 =	vor.u32 s25, v1;
	[tilespmem:v11+s22+$0x0] =	vst.idx.msk $0xffff, v10  }
0x137: {  	v10 =	vld [tilespmem:s0+$0x310];
	v11 =	vor.u32 s26, v1;
	[tilespmem:v13+s22+$0x0] =	vst.idx.msk $0xffff, v12  }
0x138: {  	v12 =	vld [tilespmem:s0+$0xFFFFFCA0];
	v13 =	vor.u32 s2, v2;
	[tilespmem:v15+s22+$0x0] =	vst.idx.msk $0xffff, v14  }
0x139: {  	v15 =	vor.u32 s20, v2;
	v14 =	vld [tilespmem:s0+$0xFFFFFC20];
	[tilespmem:v7+s22+$0x0] =	vst.idx.msk $0xffff, v6  }
0x13a: {  	[tilespmem:v5+s22+$0x0] =	vst.idx.msk $0xffff, v4;
	v4 =	vld [tilespmem:s0+$0xFFFFFD20];
	v5 =	vor.u32 s7, v2  }
0x13b: {  	v6 =	vld [tilespmem:s0+$0xFFFFFDA0];
	v7 =	vor.u32 s8, v2;
	[tilespmem:v9+s22+$0x0] =	vst.idx.msk $0xffff, v8  }
0x13c: {  	v8 =	vld [tilespmem:s0+$0xFFFFFE20];
	v9 =	vor.u32 s11, v2;
	[tilespmem:v11+s22+$0x0] =	vst.idx.msk $0xffff, v10  }
0x13d: {  	v10 =	vld [tilespmem:s0+$0xFFFFFEA0];
	v11 =	vor.u32 s14, v2;
	[tilespmem:v13+s22+$0x0] =	vst.idx.msk $0xffff, v12  }
0x13e: {  	v12 =	vld [tilespmem:s0+$0xFFFFFF20];
	v13 =	vor.u32 s15, v2;
	[tilespmem:v15+s22+$0x0] =	vst.idx.msk $0xffff, v14  }
0x13f: {  	[tilespmem:v5+s22+$0x0] =	vst.idx.msk $0xffff, v4;
	v4 =	vld [tilespmem:s0+$0xFFFFFFA0];
	v5 =	vor.u32 s16, v2  }
0x140: {  	[tilespmem:v7+s22+$0x0] =	vst.idx.msk $0xffff, v6;
	v6 =	vld [tilespmem:s0+$0x20];
	v7 =	vor.u32 s17, v2  }
0x141: {  	[tilespmem:v9+s22+$0x0] =	vst.idx.msk $0xffff, v8;
	v8 =	vld [tilespmem:s0+$0xA0];
	v9 =	vor.u32 s19, v2  }
0x142: {  	[tilespmem:v11+s22+$0x0] =	vst.idx.msk $0xffff, v10;
	v10 =	vld [tilespmem:s0+$0x120];
	v11 =	vor.u32 s23, v2  }
0x143: {  	[tilespmem:v13+s22+$0x0] =	vst.idx.msk $0xffff, v12;
	v12 =	vld [tilespmem:s0+$0x1A0];
	v13 =	vor.u32 s18, v2  }
0x144: {  	[tilespmem:v5+s22+$0x0] =	vst.idx.msk $0xffff, v4;
	v4 =	vld [tilespmem:s0+$0x220];
	v5 =	vor.u32 s24, v2  }
0x145: {  	[tilespmem:v7+s22+$0x0] =	vst.idx.msk $0xffff, v6;
	v6 =	vld [tilespmem:s0+$0x2A0];
	v7 =	vor.u32 s25, v2  }
0x146: {  	[tilespmem:v9+s22+$0x0] =	vst.idx.msk $0xffff, v8;
	v8 =	vld [tilespmem:s0+$0x320];
	v9 =	vor.u32 s26, v2  }
0x147: {  	[tilespmem:v11+s22+$0x0] =	vst.idx.msk $0xffff, v10;
	v10 =	vor.u32 s2, v3;
	v11 =	vld [tilespmem:s0+$0xFFFFFCB0]  }
0x148: {  	[tilespmem:v13+s22+$0x0] =	vst.idx.msk $0xffff, v12;
	v12 =	vor.u32 s7, v3;
	v13 =	vld [tilespmem:s0+$0xFFFFFD30]  }
0x149: {  	[tilespmem:v5+s22+$0x0] =	vst.idx.msk $0xffff, v4;
	v4 =	vor.u32 s8, v3;
	v5 =	vld [tilespmem:s0+$0xFFFFFDB0]  }
0x14a: {  	[tilespmem:v7+s22+$0x0] =	vst.idx.msk $0xffff, v6;
	v6 =	vor.u32 s11, v3;
	v7 =	vld [tilespmem:s0+$0xFFFFFE30]  }
0x14b: {  	[tilespmem:v9+s22+$0x0] =	vst.idx.msk $0xffff, v8;
	v8 =	vor.u32 s14, v3;
	v9 =	vld [tilespmem:s0+$0xFFFFFEB0]  }
0x14c: {  	v14 =	vor.u32 s15, v3;
	[tilespmem:v10+s22+$0x0] =	vst.idx.msk $0xffff, v11;
	v10 =	vld [tilespmem:s0+$0xFFFFFF30]  }
0x14d: {  	v15 =	vor.u32 s16, v3;
	[tilespmem:v12+s22+$0x0] =	vst.idx.msk $0xffff, v13;
	v12 =	vld [tilespmem:s0+$0xFFFFFFB0]  }
0x14e: {  	v16 =	vor.u32 s17, v3;
	[tilespmem:v4+s22+$0x0] =	vst.idx.msk $0xffff, v5;
	v4 =	vld [tilespmem:s0+$0x30]  }
0x14f: {  	[tilespmem:v6+s22+$0x0] =	vst.idx.msk $0xffff, v7;
	v6 =	vld [tilespmem:s0+$0xB0];
	v5 =	vor.u32 s19, v3  }
0x150: {  	v17 =	vor.u32 s23, v3;
	v18 =	vld [tilespmem:s0+$0x130];
	[tilespmem:v8+s22+$0x0] =	vst.idx.msk $0xffff, v9  }
0x151: {  	v11 =	vld [tilespmem:s0+$0x1B0];
	v13 =	vor.u32 s18, v3;
	[tilespmem:v14+s22+$0x0] =	vst.idx.msk $0xffff, v10  }
0x152: {  	[tilespmem:v15+s22+$0x0] =	vst.idx.msk $0xffff, v12;
	v7 =	vld [tilespmem:s0+$0x230];
	v12 =	vor.u32 s24, v3  }
0x153: {  	v10 =	vor.u32 s25, v3;
	[tilespmem:v16+s22+$0x0] =	vst.idx.msk $0xffff, v4;
	v4 =	vld [tilespmem:s0+$0x2B0]  }
0x154: {  	s31 =	simm.s32 $0x20;
	s29 =	simm.s32 $0x1F;
	v8 =	vor.u32 s26, v3;
	[tilespmem:v5+s22+$0x0] =	vst.idx.msk $0xffff, v6;
	v6 =	vld [tilespmem:s0+$0x330]  }
0x155: {  	s6 =	sor.u32 $0x1, s6;
	s7 =	simm.s32 $0x10;
	[tilespmem:v17+s22+$0x0] =	vst.idx.msk $0xffff, v18;
	s8 =	simm.s32 $0xB000;
	v9 =	vor.u32 s20, v3;
	v5 =	vld [tilespmem:s0+$0xFFFFFC30]  }
.LBB2_5:
0x156: {  	p0 =	slt.u32 s31, $0x70;
	s2 =	sadd.s32 $0x1, s7;
	v14 =	vld [tilespmem:s8+$0x380];
	v15 =	vor.u32 s29, v0;
	[tilespmem:v13+s22+$0x0] =	vst.idx.msk $0xffff, v11;
	s0 =	smov.u32 s7  }
0x157: {  	s7 =	smov.u32 s31;
	v11 =	vld [tilespmem:s8+$0xFFFFFC80];
	v13 =	vor.u32 s2, v0;
	s11 =	sadd.s32 $0x2, s0;
	[tilespmem:v12+s22+$0x0] =	vst.idx.msk $0xffff, v7  }
0x158: {  	s14 =	sadd.s32 $0x3, s0;
	v7 =	vld [tilespmem:s8+$0xFFFFFD00];
	v12 =	vor.u32 s11, v0;
	[tilespmem:v10+s22+$0x0] =	vst.idx.msk $0xffff, v4  }
0x159: {  	s15 =	sadd.s32 $0x4, s0;
	v10 =	vor.u32 s14, v0;
	v4 =	vld [tilespmem:s8+$0xFFFFFD80];
	[tilespmem:v8+s22+$0x0] =	vst.idx.msk $0xffff, v6  }
0x15a: {  	s16 =	sadd.s32 $0x5, s0;
	v8 =	vor.u32 s15, v0;
	v6 =	vld [tilespmem:s8+$0xFFFFFE00];
	[tilespmem:v9+s22+$0x0] =	vst.idx.msk $0xffff, v5  }
0x15b: {  	v9 =	vor.u32 s16, v0;
	v5 =	vld [tilespmem:s8+$0xFFFFFE80];
	[tilespmem:v15+s22+$0x0] =	vst.idx.msk $0xffff, v14  }
0x15c: {  	s17 =	sadd.s32 $0x6, s0;
	[tilespmem:v13+s22+$0x0] =	vst.idx.msk $0xffff, v11;
	v11 =	vld [tilespmem:s8+$0x390];
	v13 =	vor.u32 s29, v1  }
0x15d: {  	s18 =	sadd.s32 $0x7, s0;
	[tilespmem:v12+s22+$0x0] =	vst.idx.msk $0xffff, v7;
	v7 =	vld [tilespmem:s8+$0xFFFFFF00];
	v12 =	vor.u32 s17, v0  }
0x15e: {  	s19 =	sadd.s32 $0x8, s0;
	[tilespmem:v10+s22+$0x0] =	vst.idx.msk $0xffff, v4;
	v4 =	vld [tilespmem:s8+$0xFFFFFF80];
	v10 =	vor.u32 s18, v0  }
0x15f: {  	s20 =	sadd.s32 $0x9, s0;
	[tilespmem:v8+s22+$0x0] =	vst.idx.msk $0xffff, v6;
	v6 =	vld [tilespmem:s8+$0x0];
	v8 =	vor.u32 s19, v0  }
0x160: {  	s23 =	sadd.s32 $0xA, s0;
	[tilespmem:v9+s22+$0x0] =	vst.idx.msk $0xffff, v5;
	v5 =	vld [tilespmem:s8+$0x80];
	v9 =	vor.u32 s20, v0  }
0x161: {  	v15 =	vor.u32 s23, v0;
	v14 =	vld [tilespmem:s8+$0x100];
	[tilespmem:v13+s22+$0x0] =	vst.idx.msk $0xffff, v11  }
0x162: {  	s24 =	sadd.s32 $0xB, s0;
	v11 =	vor.u32 s29, v2;
	[tilespmem:v12+s22+$0x0] =	vst.idx.msk $0xffff, v7;
	v7 =	vld [tilespmem:s8+$0x3A0]  }
0x163: {  	s25 =	sadd.s32 $0xC, s0;
	[tilespmem:v10+s22+$0x0] =	vst.idx.msk $0xffff, v4;
	v4 =	vld [tilespmem:s8+$0x180];
	v10 =	vor.u32 s24, v0  }
0x164: {  	s26 =	sadd.s32 $0xD, s0;
	[tilespmem:v8+s22+$0x0] =	vst.idx.msk $0xffff, v6;
	v6 =	vld [tilespmem:s8+$0x200];
	v8 =	vor.u32 s25, v0  }
0x165: {  	s28 =	sadd.s32 $0xE, s0;
	[tilespmem:v9+s22+$0x0] =	vst.idx.msk $0xffff, v5;
	v5 =	vld [tilespmem:s8+$0x280];
	v9 =	vor.u32 s26, v0  }
0x166: {  	v13 =	vor.u32 s28, v0;
	[tilespmem:v15+s22+$0x0] =	vst.idx.msk $0xffff, v14;
	v12 =	vld [tilespmem:s8+$0x300]  }
0x167: {  	v15 =	vor.u32 s0, v0;
	v14 =	vld [tilespmem:s8+$0xFFFFFC00];
	[tilespmem:v11+s22+$0x0] =	vst.idx.msk $0xffff, v7  }
0x168: {  	v7 =	vor.u32 s29, v3;
	[tilespmem:v10+s22+$0x0] =	vst.idx.msk $0xffff, v4;
	v4 =	vld [tilespmem:s8+$0x3B0]  }
0x169: {  	v11 =	vor.u32 s2, v1;
	v10 =	vld [tilespmem:s8+$0xFFFFFC90];
	[tilespmem:v8+s22+$0x0] =	vst.idx.msk $0xffff, v6  }
0x16a: {  	v8 =	vor.u32 s11, v1;
	v6 =	vld [tilespmem:s8+$0xFFFFFD10];
	[tilespmem:v9+s22+$0x0] =	vst.idx.msk $0xffff, v5  }
0x16b: {  	v9 =	vor.u32 s14, v1;
	v5 =	vld [tilespmem:s8+$0xFFFFFD90];
	[tilespmem:v13+s22+$0x0] =	vst.idx.msk $0xffff, v12  }
0x16c: {  	v13 =	vor.u32 s15, v1;
	[tilespmem:v15+s22+$0x0] =	vst.idx.msk $0xffff, v14;
	v12 =	vld [tilespmem:s8+$0xFFFFFE10]  }
0x16d: {  	v15 =	vor.u32 s16, v1;
	v14 =	vld [tilespmem:s8+$0xFFFFFE90];
	[tilespmem:v7+s22+$0x0] =	vst.idx.msk $0xffff, v4  }
0x16e: {  	v7 =	vor.u32 s17, v1;
	[tilespmem:v11+s22+$0x0] =	vst.idx.msk $0xffff, v10;
	v4 =	vld [tilespmem:s8+$0xFFFFFF10]  }
0x16f: {  	[tilespmem:v8+s22+$0x0] =	vst.idx.msk $0xffff, v6;
	v6 =	vld [tilespmem:s8+$0xFFFFFF90];
	v8 =	vor.u32 s18, v1  }
0x170: {  	[tilespmem:v9+s22+$0x0] =	vst.idx.msk $0xffff, v5;
	v5 =	vld [tilespmem:s8+$0x10];
	v9 =	vor.u32 s19, v1  }
0x171: {  	v11 =	vor.u32 s20, v1;
	[tilespmem:v13+s22+$0x0] =	vst.idx.msk $0xffff, v12;
	v10 =	vld [tilespmem:s8+$0x90]  }
0x172: {  	v13 =	vor.u32 s23, v1;
	[tilespmem:v15+s22+$0x0] =	vst.idx.msk $0xffff, v14;
	v12 =	vld [tilespmem:s8+$0x110]  }
0x173: {  	[tilespmem:v7+s22+$0x0] =	vst.idx.msk $0xffff, v4;
	v4 =	vld [tilespmem:s8+$0x190];
	v7 =	vor.u32 s24, v1  }
0x174: {  	[tilespmem:v8+s22+$0x0] =	vst.idx.msk $0xffff, v6;
	v6 =	vld [tilespmem:s8+$0x210];
	v8 =	vor.u32 s25, v1  }
0x175: {  	[tilespmem:v9+s22+$0x0] =	vst.idx.msk $0xffff, v5;
	v5 =	vld [tilespmem:s8+$0x290];
	v9 =	vor.u32 s26, v1  }
0x176: {  	[tilespmem:v11+s22+$0x0] =	vst.idx.msk $0xffff, v10;
	v10 =	vld [tilespmem:s8+$0x310];
	v11 =	vor.u32 s28, v1  }
0x177: {  	v15 =	vor.u32 s0, v1;
	v14 =	vld [tilespmem:s8+$0xFFFFFC10];
	[tilespmem:v13+s22+$0x0] =	vst.idx.msk $0xffff, v12  }
0x178: {  	v13 =	vor.u32 s2, v2;
	v12 =	vld [tilespmem:s8+$0xFFFFFCA0];
	[tilespmem:v7+s22+$0x0] =	vst.idx.msk $0xffff, v4  }
0x179: {  	v7 =	vor.u32 s11, v2;
	v4 =	vld [tilespmem:s8+$0xFFFFFD20];
	[tilespmem:v8+s22+$0x0] =	vst.idx.msk $0xffff, v6  }
0x17a: {  	v8 =	vor.u32 s14, v2;
	v6 =	vld [tilespmem:s8+$0xFFFFFDA0];
	[tilespmem:v9+s22+$0x0] =	vst.idx.msk $0xffff, v5  }
0x17b: {  	v9 =	vor.u32 s15, v2;
	v5 =	vld [tilespmem:s8+$0xFFFFFE20];
	[tilespmem:v11+s22+$0x0] =	vst.idx.msk $0xffff, v10  }
0x17c: {  	v11 =	vor.u32 s16, v2;
	[tilespmem:v15+s22+$0x0] =	vst.idx.msk $0xffff, v14;
	v10 =	vld [tilespmem:s8+$0xFFFFFEA0]  }
0x17d: {  	[tilespmem:v13+s22+$0x0] =	vst.idx.msk $0xffff, v12;
	v12 =	vld [tilespmem:s8+$0xFFFFFF20];
	v13 =	vor.u32 s17, v2  }
0x17e: {  	[tilespmem:v7+s22+$0x0] =	vst.idx.msk $0xffff, v4;
	v4 =	vld [tilespmem:s8+$0xFFFFFFA0];
	v7 =	vor.u32 s18, v2  }
0x17f: {  	[tilespmem:v8+s22+$0x0] =	vst.idx.msk $0xffff, v6;
	v6 =	vld [tilespmem:s8+$0x20];
	v8 =	vor.u32 s19, v2  }
0x180: {  	[tilespmem:v9+s22+$0x0] =	vst.idx.msk $0xffff, v5;
	v5 =	vld [tilespmem:s8+$0xA0];
	v9 =	vor.u32 s20, v2  }
0x181: {  	[tilespmem:v11+s22+$0x0] =	vst.idx.msk $0xffff, v10;
	v10 =	vld [tilespmem:s8+$0x120];
	v11 =	vor.u32 s23, v2  }
0x182: {  	[tilespmem:v13+s22+$0x0] =	vst.idx.msk $0xffff, v12;
	v12 =	vld [tilespmem:s8+$0x1A0];
	v13 =	vor.u32 s24, v2  }
0x183: {  	[tilespmem:v7+s22+$0x0] =	vst.idx.msk $0xffff, v4;
	v4 =	vld [tilespmem:s8+$0x220];
	v7 =	vor.u32 s25, v2  }
0x184: {  	[tilespmem:v8+s22+$0x0] =	vst.idx.msk $0xffff, v6;
	v6 =	vld [tilespmem:s8+$0x2A0];
	v8 =	vor.u32 s26, v2  }
0x185: {  	[tilespmem:v9+s22+$0x0] =	vst.idx.msk $0xffff, v5;
	v5 =	vld [tilespmem:s8+$0x320];
	v9 =	vor.u32 s28, v2  }
0x186: {  	v15 =	vor.u32 s0, v2;
	v14 =	vld [tilespmem:s8+$0xFFFFFC20];
	[tilespmem:v11+s22+$0x0] =	vst.idx.msk $0xffff, v10  }
0x187: {  	v11 =	vor.u32 s2, v3;
	v10 =	vld [tilespmem:s8+$0xFFFFFCB0];
	[tilespmem:v13+s22+$0x0] =	vst.idx.msk $0xffff, v12  }
0x188: {  	v13 =	vor.u32 s11, v3;
	v12 =	vld [tilespmem:s8+$0xFFFFFD30];
	[tilespmem:v7+s22+$0x0] =	vst.idx.msk $0xffff, v4  }
0x189: {  	v7 =	vor.u32 s14, v3;
	v4 =	vld [tilespmem:s8+$0xFFFFFDB0];
	[tilespmem:v8+s22+$0x0] =	vst.idx.msk $0xffff, v6  }
0x18a: {  	v8 =	vor.u32 s15, v3;
	v6 =	vld [tilespmem:s8+$0xFFFFFE30];
	[tilespmem:v9+s22+$0x0] =	vst.idx.msk $0xffff, v5  }
0x18b: {  	v9 =	vor.u32 s16, v3;
	[tilespmem:v15+s22+$0x0] =	vst.idx.msk $0xffff, v14;
	v5 =	vld [tilespmem:s8+$0xFFFFFEB0]  }
0x18c: {  	[tilespmem:v11+s22+$0x0] =	vst.idx.msk $0xffff, v10;
	v10 =	vld [tilespmem:s8+$0xFFFFFF30];
	v11 =	vor.u32 s17, v3  }
0x18d: {  	v14 =	vor.u32 s18, v3;
	[tilespmem:v13+s22+$0x0] =	vst.idx.msk $0xffff, v12;
	v12 =	vld [tilespmem:s8+$0xFFFFFFB0]  }
0x18e: {  	v15 =	vor.u32 s19, v3;
	[tilespmem:v7+s22+$0x0] =	vst.idx.msk $0xffff, v4;
	v4 =	vld [tilespmem:s8+$0x30]  }
0x18f: {  	[tilespmem:v8+s22+$0x0] =	vst.idx.msk $0xffff, v6;
	v6 =	vld [tilespmem:s8+$0xB0];
	v8 =	vor.u32 s20, v3  }
0x190: {  	v17 =	vor.u32 s23, v3;
	[tilespmem:v9+s22+$0x0] =	vst.idx.msk $0xffff, v5;
	v16 =	vld [tilespmem:s8+$0x130]  }
.Ltmp3:
0x191: {  	v13 =	vor.u32 s24, v3;
	[tilespmem:v11+s22+$0x0] =	vst.idx.msk $0xffff, v10;
	v11 =	vld [tilespmem:s8+$0x1B0];
	(pc) =	sbr.rel @p0 .LBB2_5-.Ltmp3, $4  }
0x192: {  	[tilespmem:v14+s22+$0x0] =	vst.idx.msk $0xffff, v12;
	v7 =	vld [tilespmem:s8+$0x230];
	v12 =	vor.u32 s25, v3  }
0x193: {  	v10 =	vor.u32 s26, v3;
	[tilespmem:v15+s22+$0x0] =	vst.idx.msk $0xffff, v4;
	v4 =	vld [tilespmem:s8+$0x2B0]  }
0x194: {  	[tilespmem:v8+s22+$0x0] =	vst.idx.msk $0xffff, v6;
	v6 =	vld [tilespmem:s8+$0x330];
	v8 =	vor.u32 s28, v3  }
0x195: {  	s31 =	sadd.s32 $0x10, s31;
	s29 =	sadd.s32 $0xF, s7;
	v9 =	vor.u32 s0, v3;
	v5 =	vld [tilespmem:s8+$0xFFFFFC30];
	[tilespmem:v17+s22+$0x0] =	vst.idx.msk $0xffff, v16;
	s8 =	sadd.s32 $0x800, s8  }
0x196: {  	_ =	sdelay $0x3  }
0x197: {  	v14 =	vld [tilespmem:s8+$0x380];
	v15 =	vor.u32 s29, v0;
	[tilespmem:v13+s22+$0x0] =	vst.idx.msk $0xffff, v11  }
0x198: {  	s0 =	sadd.s32 $0x1, s7;
	v36 =	vld [tilespmem:s8+$0xFFFFFC00];
	v37 =	vor.u32 s7, v0;
	[tilespmem:v12+s22+$0x0] =	vst.idx.msk $0xffff, v7  }
0x199: {  	v58 =	vld [tilespmem:s8+$0xFFFFFC80];
	s2 =	sadd.s32 $0x2, s7;
	v59 =	vor.u32 s0, v0;
	[tilespmem:v10+s22+$0x0] =	vst.idx.msk $0xffff, v4  }
0x19a: {  	v60 =	vld [tilespmem:s8+$0xFFFFFD00];
	s14 =	sadd.s32 $0x4, s7;
	v61 =	vor.u32 s2, v0;
	[tilespmem:v8+s22+$0x0] =	vst.idx.msk $0xffff, v6  }
0x19b: {  	v63 =	vld [tilespmem:s8+$0xFFFFFE00];
	s16 =	sadd.s32 $0x6, s7;
	v16 =	vor.u32 s14, v0;
	[tilespmem:v9+s22+$0x0] =	vst.idx.msk $0xffff, v5  }
0x19c: {  	v20 =	vld [tilespmem:s8+$0xFFFFFF00];
	s18 =	sadd.s32 $0x8, s7;
	v21 =	vor.u32 s16, v0;
	[tilespmem:v15+s22+$0x0] =	vst.idx.msk $0xffff, v14  }
0x19d: {  	v23 =	vld [tilespmem:s8+$0x0];
	s20 =	sadd.s32 $0xA, s7;
	v24 =	vor.u32 s18, v0;
	[tilespmem:v37+s22+$0x0] =	vst.idx.msk $0xffff, v36  }
0x19e: {  	s11 =	sadd.s32 $0x3, s7;
	v26 =	vld [tilespmem:s8+$0x100];
	v27 =	vor.u32 s20, v0;
	[tilespmem:v59+s22+$0x0] =	vst.idx.msk $0xffff, v58  }
0x19f: {  	s24 =	sadd.s32 $0xC, s7;
	v62 =	vor.u32 s11, v0;
	v4 =	vld [tilespmem:s8+$0xFFFFFD80];
	[tilespmem:v61+s22+$0x0] =	vst.idx.msk $0xffff, v60  }
0x1a0: {  	s15 =	sadd.s32 $0x5, s7;
	v31 =	vld [tilespmem:s8+$0x200];
	v32 =	vor.u32 s24, v0;
	[tilespmem:v16+s22+$0x0] =	vst.idx.msk $0xffff, v63  }
0x1a1: {  	v17 =	vor.u32 s15, v0;
	v5 =	vld [tilespmem:s8+$0xFFFFFE80];
	[tilespmem:v21+s22+$0x0] =	vst.idx.msk $0xffff, v20  }
0x1a2: {  	v19 =	vor.u32 s29, v1;
	s26 =	sadd.s32 $0xE, s7;
	v18 =	vld [tilespmem:s8+$0x390];
	[tilespmem:v24+s22+$0x0] =	vst.idx.msk $0xffff, v23  }
0x1a3: {  	s17 =	sadd.s32 $0x7, s7;
	v34 =	vld [tilespmem:s8+$0x300];
	v35 =	vor.u32 s26, v0;
	[tilespmem:v27+s22+$0x0] =	vst.idx.msk $0xffff, v26  }
0x1a4: {  	v22 =	vor.u32 s17, v0;
	[tilespmem:v62+s22+$0x0] =	vst.idx.msk $0xffff, v4;
	v4 =	vld [tilespmem:s8+$0xFFFFFF80]  }
0x1a5: {  	v40 =	vor.u32 s0, v1;
	[tilespmem:v32+s22+$0x0] =	vst.idx.msk $0xffff, v31;
	v39 =	vld [tilespmem:s8+$0xFFFFFC90]  }
0x1a6: {  	s19 =	sadd.s32 $0x9, s7;
	v42 =	vor.u32 s2, v1;
	v41 =	vld [tilespmem:s8+$0xFFFFFD10];
	[tilespmem:v17+s22+$0x0] =	vst.idx.msk $0xffff, v5  }
0x1a7: {  	v25 =	vor.u32 s19, v0;
	v5 =	vld [tilespmem:s8+$0x80];
	[tilespmem:v19+s22+$0x0] =	vst.idx.msk $0xffff, v18  }
0x1a8: {  	s23 =	sadd.s32 $0xB, s7;
	v29 =	vor.u32 s29, v2;
	[tilespmem:v35+s22+$0x0] =	vst.idx.msk $0xffff, v34;
	v28 =	vld [tilespmem:s8+$0x3A0]  }
0x1a9: {  	v30 =	vor.u32 s23, v0;
	[tilespmem:v22+s22+$0x0] =	vst.idx.msk $0xffff, v4;
	v4 =	vld [tilespmem:s8+$0x180]  }
0x1aa: {  	v45 =	vor.u32 s14, v1;
	v44 =	vld [tilespmem:s8+$0xFFFFFE10];
	[tilespmem:v40+s22+$0x0] =	vst.idx.msk $0xffff, v39  }
0x1ab: {  	v55 =	vor.u32 s20, v1;
	v54 =	vld [tilespmem:s8+$0x110];
	[tilespmem:v42+s22+$0x0] =	vst.idx.msk $0xffff, v41  }
0x1ac: {  	s25 =	sadd.s32 $0xD, s7;
	v58 =	vor.u32 s24, v1;
	v57 =	vld [tilespmem:s8+$0x210];
	[tilespmem:v25+s22+$0x0] =	vst.idx.msk $0xffff, v5  }
0x1ad: {  	v33 =	vor.u32 s25, v0;
	v5 =	vld [tilespmem:s8+$0x280];
	[tilespmem:v29+s22+$0x0] =	vst.idx.msk $0xffff, v28  }
0x1ae: {  	v38 =	vor.u32 s29, v3;
	[tilespmem:v30+s22+$0x0] =	vst.idx.msk $0xffff, v4;
	v4 =	vld [tilespmem:s8+$0x3B0]  }
0x1af: {  	v61 =	vor.u32 s26, v1;
	v60 =	vld [tilespmem:s8+$0x310];
	[tilespmem:v45+s22+$0x0] =	vst.idx.msk $0xffff, v44  }
0x1b0: {  	v63 =	vor.u32 s7, v1;
	v62 =	vld [tilespmem:s8+$0xFFFFFC10];
	[tilespmem:v55+s22+$0x0] =	vst.idx.msk $0xffff, v54  }
0x1b1: {  	v47 =	vor.u32 s15, v1;
	v46 =	vld [tilespmem:s8+$0xFFFFFE90];
	[tilespmem:v58+s22+$0x0] =	vst.idx.msk $0xffff, v57  }
0x1b2: {  	v43 =	vor.u32 s11, v1;
	[tilespmem:v33+s22+$0x0] =	vst.idx.msk $0xffff, v5;
	v5 =	vld [tilespmem:s8+$0xFFFFFD90]  }
0x1b3: {  	v48 =	vor.u32 s16, v1;
	[tilespmem:v38+s22+$0x0] =	vst.idx.msk $0xffff, v4;
	v4 =	vld [tilespmem:s8+$0xFFFFFF10]  }
0x1b4: {  	v50 =	vor.u32 s17, v1;
	[tilespmem:v61+s22+$0x0] =	vst.idx.msk $0xffff, v60;
	v49 =	vld [tilespmem:s8+$0xFFFFFF90]  }
0x1b5: {  	v17 =	vor.u32 s0, v2;
	[tilespmem:v63+s22+$0x0] =	vst.idx.msk $0xffff, v62;
	v16 =	vld [tilespmem:s8+$0xFFFFFCA0]  }
0x1b6: {  	v53 =	vor.u32 s19, v1;
	v52 =	vld [tilespmem:s8+$0x90];
	[tilespmem:v47+s22+$0x0] =	vst.idx.msk $0xffff, v46  }
0x1b7: {  	v51 =	vor.u32 s18, v1;
	[tilespmem:v43+s22+$0x0] =	vst.idx.msk $0xffff, v5;
	v5 =	vld [tilespmem:s8+$0x10]  }
0x1b8: {  	v56 =	vor.u32 s23, v1;
	[tilespmem:v48+s22+$0x0] =	vst.idx.msk $0xffff, v4;
	v4 =	vld [tilespmem:s8+$0x190]  }
0x1b9: {  	v23 =	vor.u32 s15, v2;
	v22 =	vld [tilespmem:s8+$0xFFFFFEA0];
	[tilespmem:v50+s22+$0x0] =	vst.idx.msk $0xffff, v49  }
0x1ba: {  	v31 =	vor.u32 s20, v2;
	v30 =	vld [tilespmem:s8+$0x120];
	[tilespmem:v17+s22+$0x0] =	vst.idx.msk $0xffff, v16  }
0x1bb: {  	v14 =	vld [tilespmem:s8+$0xFFFFFC20];
	[tilespmem:v53+s22+$0x0] =	vst.idx.msk $0xffff, v52;
	v38 =	vor.u32 s7, v2  }
0x1bc: {  	v59 =	vor.u32 s25, v1;
	[tilespmem:v51+s22+$0x0] =	vst.idx.msk $0xffff, v5;
	v5 =	vld [tilespmem:s8+$0x290]  }
0x1bd: {  	v18 =	vor.u32 s2, v2;
	[tilespmem:v56+s22+$0x0] =	vst.idx.msk $0xffff, v4;
	v4 =	vld [tilespmem:s8+$0xFFFFFD20]  }
0x1be: {  	v39 =	vor.u32 s0, v3;
	v40 =	vld [tilespmem:s8+$0xFFFFFCB0];
	[tilespmem:v23+s22+$0x0] =	vst.idx.msk $0xffff, v22  }
0x1bf: {  	v20 =	vor.u32 s11, v2;
	[tilespmem:v31+s22+$0x0] =	vst.idx.msk $0xffff, v30;
	v19 =	vld [tilespmem:s8+$0xFFFFFDA0]  }
0x1c0: {  	v25 =	vor.u32 s16, v2;
	[tilespmem:v38+s22+$0x0] =	vst.idx.msk $0xffff, v14;
	v24 =	vld [tilespmem:s8+$0xFFFFFF20]  }
0x1c1: {  	v21 =	vor.u32 s14, v2;
	[tilespmem:v59+s22+$0x0] =	vst.idx.msk $0xffff, v5;
	v5 =	vld [tilespmem:s8+$0xFFFFFE20]  }
0x1c2: {  	v26 =	vor.u32 s17, v2;
	[tilespmem:v18+s22+$0x0] =	vst.idx.msk $0xffff, v4;
	v4 =	vld [tilespmem:s8+$0xFFFFFFA0]  }
0x1c3: {  	v63 =	vor.u32 s7, v3;
	[tilespmem:v39+s22+$0x0] =	vst.idx.msk $0xffff, v40;
	v62 =	vld [tilespmem:s8+$0xFFFFFC30]  }
0x1c4: {  	v28 =	vor.u32 s18, v2;
	[tilespmem:v20+s22+$0x0] =	vst.idx.msk $0xffff, v19;
	v27 =	vld [tilespmem:s8+$0x20]  }
0x1c5: {  	v33 =	vor.u32 s23, v2;
	[tilespmem:v25+s22+$0x0] =	vst.idx.msk $0xffff, v24;
	v32 =	vld [tilespmem:s8+$0x1A0]  }
0x1c6: {  	v29 =	vor.u32 s19, v2;
	[tilespmem:v21+s22+$0x0] =	vst.idx.msk $0xffff, v5;
	v5 =	vld [tilespmem:s8+$0xA0]  }
0x1c7: {  	v34 =	vor.u32 s24, v2;
	[tilespmem:v26+s22+$0x0] =	vst.idx.msk $0xffff, v4;
	v4 =	vld [tilespmem:s8+$0x220]  }
0x1c8: {  	v36 =	vor.u32 s25, v2;
	[tilespmem:v63+s22+$0x0] =	vst.idx.msk $0xffff, v62;
	v35 =	vld [tilespmem:s8+$0x2A0]  }
0x1c9: {  	v47 =	vor.u32 s16, v3;
	[tilespmem:v28+s22+$0x0] =	vst.idx.msk $0xffff, v27;
	v48 =	vld [tilespmem:s8+$0xFFFFFF30]  }
0x1ca: {  	v41 =	vor.u32 s2, v3;
	[tilespmem:v33+s22+$0x0] =	vst.idx.msk $0xffff, v32;
	v42 =	vld [tilespmem:s8+$0xFFFFFD30]  }
0x1cb: {  	v37 =	vor.u32 s26, v2;
	[tilespmem:v29+s22+$0x0] =	vst.idx.msk $0xffff, v5;
	v5 =	vld [tilespmem:s8+$0x320]  }
0x1cc: {  	v43 =	vld [tilespmem:s8+$0xFFFFFDB0];
	[tilespmem:v34+s22+$0x0] =	vst.idx.msk $0xffff, v4;
	v4 =	vor.u32 s11, v3  }
0x1cd: {  	v44 =	vor.u32 s14, v3;
	[tilespmem:v36+s22+$0x0] =	vst.idx.msk $0xffff, v35;
	v45 =	vld [tilespmem:s8+$0xFFFFFE30]  }
0x1ce: {  	v55 =	vor.u32 s23, v3;
	[tilespmem:v47+s22+$0x0] =	vst.idx.msk $0xffff, v48;
	v56 =	vld [tilespmem:s8+$0x1B0]  }
0x1cf: {  	v49 =	vor.u32 s17, v3;
	[tilespmem:v41+s22+$0x0] =	vst.idx.msk $0xffff, v42;
	v50 =	vld [tilespmem:s8+$0xFFFFFFB0]  }
0x1d0: {  	v46 =	vld [tilespmem:s8+$0xFFFFFEB0];
	[tilespmem:v37+s22+$0x0] =	vst.idx.msk $0xffff, v5;
	v5 =	vor.u32 s15, v3  }
0x1d1: {  	v51 =	vor.u32 s18, v3;
	[tilespmem:v4+s22+$0x0] =	vst.idx.msk $0xffff, v43;
	v4 =	vld [tilespmem:s8+$0x30]  }
0x1d2: {  	v52 =	vor.u32 s19, v3;
	[tilespmem:v44+s22+$0x0] =	vst.idx.msk $0xffff, v45;
	v53 =	vld [tilespmem:s8+$0xB0]  }
0x1d3: {  	v57 =	vor.u32 s24, v3;
	[tilespmem:v55+s22+$0x0] =	vst.idx.msk $0xffff, v56;
	v58 =	vld [tilespmem:s8+$0x230]  }
0x1d4: {  	v60 =	vor.u32 s26, v3;
	[tilespmem:v49+s22+$0x0] =	vst.idx.msk $0xffff, v50;
	v61 =	vld [tilespmem:s8+$0x330]  }
0x1d5: {  	v54 =	vor.u32 s20, v3;
	[tilespmem:v5+s22+$0x0] =	vst.idx.msk $0xffff, v46;
	v5 =	vld [tilespmem:s8+$0x130]  }
0x1d6: {  	v59 =	vor.u32 s25, v3;
	[tilespmem:v51+s22+$0x0] =	vst.idx.msk $0xffff, v4;
	v4 =	vld [tilespmem:s8+$0x2B0]  }
0x1d7: {  	s15 =	sadd.s32 s5, s6;
	[tilespmem:v52+s22+$0x0] =	vst.idx.msk $0xffff, v53  }
0x1d8: {  	s16 =	sshll.u32 s15, $0x7;
	[tilespmem:v57+s22+$0x0] =	vst.idx.msk $0xffff, v58  }
0x1d9: {  	s0 =	sshll.u32 s15, $0xA;
	s2 =	sand.u32 $0x3F80, s16;
	[tilespmem:v60+s22+$0x0] =	vst.idx.msk $0xffff, v61  }
0x1da: {  	s0 =	sand.u32 $0xFFE0000, s0;
	s2 =	sadd.s32 s1, s2;
	[tilespmem:v54+s22+$0x0] =	vst.idx.msk $0xffff, v5  }
0x1db: {  	s0 =	sadd.s32 s0, s2;
	[tilespmem:v59+s22+$0x0] =	vst.idx.msk $0xffff, v4  }
0x1dc: {  	[hbm4b:s0+s3] =	stream.linear.scatter [tilespmem:s22], [sflag:$0x4], $0x400, $0x38;
	[tilespmem:$0x16400] =	vst v63  }
0x1dd: {  	s17 =	simm.s32 $0x12C00;
	s2 =	sadd.s32 $0x4000, s0  }
0x1de: {  	[hbm4b:s2+s3] =	stream.linear.scatter [tilespmem:s17], [sflag:$0x4], $0x400, $0x38;
	[tilespmem:$0x16400] =	vst v63  }
0x1df: {  	s19 =	simm.s32 $0x13400;
	s18 =	sadd.s32 $0x8000, s0  }
0x1e0: {  	[hbm4b:s18+s3] =	stream.linear.scatter [tilespmem:s19], [sflag:$0x4], $0x400, $0x38;
	[tilespmem:$0x16400] =	vst v63  }
0x1e1: {  	s23 =	simm.s32 $0x13C00;
	s20 =	sadd.s32 $0xC000, s0  }
0x1e2: {  	[hbm4b:s20+s3] =	stream.linear.scatter [tilespmem:s23], [sflag:$0x4], $0x400, $0x38;
	[tilespmem:$0x16400] =	vst v63  }
0x1e3: {  	s25 =	simm.s32 $0x14400;
	s24 =	sadd.s32 $0x10000, s0  }
0x1e4: {  	[hbm4b:s24+s3] =	stream.linear.scatter [tilespmem:s25], [sflag:$0x4], $0x400, $0x38;
	[tilespmem:$0x16400] =	vst v63  }
0x1e5: {  	s28 =	simm.s32 $0x14C00;
	s26 =	sadd.s32 $0x14000, s0  }
0x1e6: {  	[hbm4b:s26+s3] =	stream.linear.scatter [tilespmem:s28], [sflag:$0x4], $0x400, $0x38;
	[tilespmem:$0x16400] =	vst v63  }
.Ltmp4:
0x1e7: {  	_ = 	snop;
	(pc) =	sbr.rel @p1 .LBB2_8-.Ltmp4, $4  }
0x1e8: {  	s31 =	simm.s32 $0x15400;
	s29 =	sadd.s32 $0x18000, s0  }
0x1e9: {  	[hbm4b:s29+s3] =	stream.linear.scatter [tilespmem:s31], [sflag:$0x4], $0x400, $0x38;
	[tilespmem:$0x16400] =	vst v63  }
0x1ea: {  	s0 =	sadd.s32 $0x1C000, s0  }
0x1eb: {  	[hbm4b:s0+s3] =	stream.linear.scatter [tilespmem:s30], [sflag:$0x4], $0x400, $0x38;
	[tilespmem:$0x16400] =	vst v63  }
.Ltmp5:
0x1ec: {  	(pc) =	sbr.rel .LBB2_2-.Ltmp5, $4  }
0x1ed: {  	s0 =	sshll.u32 s10, $0x8  }
0x1ee: {  	s0 =	sand.u32 $0x3FFFFF00, s0  }
0x1ef: {  	s2 =	simm.s32 $0xA400;
	s10 =	sadd.s32 $0x1, s10;
	s0 =	sadd.s32 $0x180, s0  }
0x1f0: {  	[tilespmem:s2], [sflag:$0x2] =	stream.indirect.gather [hbm4b:s4+s9], $0x80, s0, s9, $0xb8;
	[tilespmem:$0x16400] =	vst v63  }
.LBB2_9:
0x1f1: {  	_ =	sfence.sel $0x180000  }
0x1f2: {  	[bflag:$0x0] =	sbarrier.arrive $0xFFFF  }
0x1f3: {  	_ =	strace $0x90000047  }
0x1f4: {  	s0 =	stileid.u32;
	[bflag:$0x2] =	sbarrier.arrive $0xFFFF  }
0x1f5: {  	p0 =	sne.s32 s0, $0x0;
	s0 =	rddreg [dreg:$0x2]  }
0x1f6: {  	s0 =	sadd.s32 @!p0 $0x100000, s0  }
0x1f7: {  	[sflag:s0] =	ssyncadd.tile.s32 @!p0 $0x1;
	_ =	shalt  }
.Lfunc_end2:
_tile_overlayer_lowered:
.L_overlay_start_2:
0x1f8: {  	(tag) =	ssettag $0x2  }
0x1f9: {  	s0 =	rddreg [dreg:$0x0];
	s2 =	stileid.u32  }
0x1fa: {  	s1 =	rddreg [dreg:$0x1];
	p0 =	sne.s32 s2, $0x0  }
0x1fb: {  	s3 =	rddreg [dreg:$0x2];
	[bflag:$0x3] =	sbarrier.arrive $0xFFFF;
	s2 =	simm.s32 @!p0 $0x1C05  }
0x1fc: {  	[timem:s3], [sflag:s2] =	dma.local @!p0 [hbm:s0], s1  }
0x1fd: {  	s0 =	simm.s32 @!p0 $0x5  }
0x1fe: {  	_ =	swait.ge @!p0 [sflag:s0], s1  }
0x1ff: {  	s1 =	ssub.s32 @!p0 $0x0, s1;
	[sflag:s0] =	ssyncset.done @!p0 $0x0  }
0x200: {  	[sflag:s0] =	ssyncadd.s32 @!p0 s1  }
0x201: {  	[bflag:$0x3] =	sbarrier.arrive $0xFFFF  }
0x202: {  	_ =	shalt  }

</sc_bundles>
